<compile_context>
chip_gen: v7x
topology: tpu7x:2x2x1
jax: 0.10.2.dev20260603
libtpu: 0.0.44.dev20260713+nightly
codegen_flags: <defaults>
</compile_context>

<pallas_src>
import functools

import jax
import jax.numpy as jnp
from jax import lax
from jax.experimental import pallas as pl
from jax.experimental.pallas import tpu as pltpu
from jax.experimental.pallas import tpu_sc as plsc

N = 262144
D = 3
T = 128
R = 128
RAD = 1.1
B = 64

P = 32768
C = 1536
NTG = 8
NBG = 4
HROWS = 16 * R
BBLK = 8


def _tc1_body(xt_ref, b_ref, v_ref, a_ref, cnt_ref):
    i = pl.program_id(0)
    xt = xt_ref[...]
    v = v_ref[...]
    br = b_ref[...]
    k1 = R / (2.0 * RAD)
    dn_t = (((0,), (0,)), ((), ()))
    bloc = (br & (16 - 1)).astype(jnp.float32)
    lhs = jnp.concatenate([xt, jnp.ones((1, P), jnp.float32), bloc],
                          axis=0)
    tlpat = (lax.broadcasted_iota(jnp.int32, (1, T), 1) & 15).astype(jnp.float32)
    vs = jnp.concatenate([v * k1, jnp.full((1, T), R / 2.0),
                          jnp.zeros((1, T), jnp.float32)], axis=0)
    vb = jnp.concatenate([jnp.zeros((3, T), jnp.float32), tlpat,
                          jnp.full((1, T), float(R * 16))], axis=0)
    sb = lax.dot_general(lhs, jnp.concatenate([vs, vb], axis=1), dn_t,
                         preferred_element_type=jnp.float32)
    s = sb[:, :T]
    base = sb[:, T:]
    a_ref[...] = (base + jnp.floor(jnp.clip(s, 0.0, R - 1.0)) * 16.0
                  ).astype(jnp.int32)
    thr = (lax.broadcasted_iota(jnp.int32, (16, 1), 0) + 1) * 16
    bo_t = (br < thr).astype(jnp.float32)
    c = lax.dot_general(jnp.ones((1, P), jnp.float32), bo_t,
                        (((1,), (1,)), ((), ())),
                        preferred_element_type=jnp.float32)

    @pl.when(i == 0)
    def _():
        cnt_ref[...] = jnp.zeros_like(cnt_ref)

    cnt_ref[...] += c.astype(jnp.int32)


def _tc1(xt, br, v):
    return pl.pallas_call(
        _tc1_body,
        grid=(N // P,),
        in_specs=[
            pl.BlockSpec((D, P), lambda i: (0, i)),
            pl.BlockSpec((1, P), lambda i: (0, i)),
            pl.BlockSpec((D, T), lambda i: (0, 0)),
        ],
        out_specs=[
            pl.BlockSpec((P, T), lambda i: (i, 0)),
            pl.BlockSpec((1, 16), lambda i: (0, 0)),
        ],
        out_shape=[
            jax.ShapeDtypeStruct((N + C, T), jnp.int32),
            jax.ShapeDtypeStruct((1, 16), jnp.int32),
        ],
    )(xt, br, v)


def _sc_hist_body(a_hbm, cnt_hbm, h_hbm, abufa, abufb, hist, hist2, cbuf,
                  sema, semb):
    cid = lax.axis_index("c")
    sid = lax.axis_index("s")
    wid = sid * 2 + cid
    tg = wid // NBG
    bg = wid % NBG

    pltpu.sync_copy(cnt_hbm.at[0], cbuf)
    iota16 = lax.broadcasted_iota(jnp.int32, (16,), 0)
    cb = cbuf[...]
    zero = jnp.int32(0)
    b1 = jnp.sum(jnp.where(iota16 == 0, cb, zero))
    b2 = jnp.sum(jnp.where(iota16 == 1, cb, zero))
    b3 = jnp.sum(jnp.where(iota16 == 2, cb, zero))
    start = jnp.where(bg == 0, zero, jnp.where(bg == 1, b1, jnp.where(bg == 2, b2, b3)))
    end = jnp.where(bg == 0, b1, jnp.where(bg == 1, b2, jnp.where(bg == 2, b3, jnp.int32(N))))

    ones16 = jnp.ones((16,), jnp.float32)
    trash16 = jnp.full((16,), HROWS * 16, jnp.int32) + iota16

    nch = (end - start + (C - 1)) // C
    npair = jnp.maximum(jnp.int32(1), (nch + 1) // 2)

    def issue(k, buf, sem):
        p0 = jnp.minimum(start + k * C, jnp.int32(N))
        pltpu.make_async_copy(
            a_hbm.at[pl.ds(p0, C), pl.ds(tg * 16, 16)], buf, sem).start()

    def process(k, buf, sem):
        pltpu.make_async_copy(
            a_hbm.at[pl.ds(0, C), pl.ds(0, 16)], buf, sem).wait()
        cnt = jnp.clip(end - (start + k * C), 0, C)

        def fill(j, carry2):
            buf[j] = trash16
            return carry2

        lax.fori_loop(cnt, C, fill, 0)

        @pl.loop(0, C, step=16)
        def _(j):
            avs = [buf[j + u] for u in range(16)]
            for a in avs:
                plsc.addupdate_scatter(hist, [a], ones16)

    issue(jnp.int32(0), abufa, sema)
    issue(jnp.int32(1), abufb, semb)

    zeros16 = jnp.zeros((16,), jnp.float32)

    @pl.loop(0, HROWS * 16 + 16, step=16)
    def _(i):
        hist[pl.ds(i, 16)] = zeros16

    def pair_body(m, carry):
        more = m + 1 < npair
        process(2 * m, abufa, sema)

        @pl.when(more)
        def _():
            issue(2 * m + 2, abufa, sema)

        process(2 * m + 1, abufb, semb)

        @pl.when(more)
        def _():
            issue(2 * m + 3, abufb, semb)

        return carry

    lax.fori_loop(0, npair, pair_body, 0)

    for bl in range(16):
        def csum(r, acc):
            acc = acc + hist[pl.ds((bl * R + r) * 16, 16)]
            hist2[bl * R + r] = acc
            return acc

        lax.fori_loop(0, R, csum, jnp.zeros((16,), jnp.float32))

    pltpu.sync_copy(hist2, h_hbm.at[pl.ds(bg * HROWS, HROWS), tg, :])


@functools.cache
def _sc_hist():
    mesh = plsc.VectorSubcoreMesh(core_axis_name="c", subcore_axis_name="s")
    return pl.kernel(
        _sc_hist_body,
        out_type=jax.ShapeDtypeStruct((NBG * HROWS, NTG, 16), jnp.float32),
        mesh=mesh,
        compiler_params=pltpu.CompilerParams(
            use_tc_tiling_on_sc=False, needs_layout_passes=False),
        scratch_types=[
            pltpu.VMEM((C, 16), jnp.int32),
            pltpu.VMEM((C, 16), jnp.int32),
            pltpu.VMEM((HROWS * 16 + 16,), jnp.float32),
            pltpu.VMEM((HROWS, 16), jnp.float32),
            pltpu.VMEM((16,), jnp.int32),
            pltpu.SemaphoreType.DMA,
            pltpu.SemaphoreType.DMA,
        ],
    )


def kernel(x, batch, v):
    a, counts = _tc1(x.T, batch[None, :], v)
    h = _sc_hist()(a, counts)
    return h.reshape(B, R, T)

# --- scband reference (transcript-rebuilt; emitter-appended) ---
"""Pipeline reference for scband-fast-ect-layer-1769526526455 (READ-ONLY COPY).

The authoritative reference and input builder live on the scoring server;
editing this copy changes nothing except your own understanding.
"""

import jax, jax.numpy as jnp
import numpy as np

NUM_POINTS = 262144
AMBIENT_DIM = 3
NUM_THETAS = 128
RESOLUTION = 128
RADIUS = 1.1
BATCH_SIZE = 64


def setup_inputs(seed: int = 0) -> dict:
    key = jax.random.key(seed)
    k1, k2, k3 = jax.random.split(key, 3)
    x = jax.random.normal(k1, (NUM_POINTS, AMBIENT_DIM), dtype=jnp.float32)
    batch = jnp.sort(jax.random.randint(k2, (NUM_POINTS,), 0, BATCH_SIZE, dtype=jnp.int32))
    # learned/buffered directions: uniform on the sphere [ambient_dim, num_thetas]
    g = jax.random.normal(k3, (AMBIENT_DIM, NUM_THETAS), dtype=jnp.float32)
    v = g / (jnp.linalg.norm(g, axis=0, keepdims=True) + 1e-12)
    return {"x": x, "batch": batch, "v": v}


def reference(x, batch, v):
    # heights: projection of every point onto every direction -> [N, T]
    nh = x @ v
    # fast (non-differentiable) ECT via bincount: bin heights into RESOLUTION
    # bins over [-RADIUS, RADIUS], histogram per (batch, direction), then
    # cumulative sum over the threshold axis (Euler characteristic curve for points).
    idx = jnp.floor((nh + RADIUS) / (2.0 * RADIUS) * RESOLUTION)
    idx = jnp.clip(idx, 0, RESOLUTION - 1).astype(jnp.int32)  # [N, T]
    theta_ids = jnp.arange(NUM_THETAS, dtype=jnp.int32)[None, :]  # [1, T]
    hist = jnp.zeros((BATCH_SIZE, RESOLUTION, NUM_THETAS), dtype=jnp.float32)
    hist = hist.at[batch[:, None], idx, theta_ids].add(1.0)
    ect = jnp.cumsum(hist, axis=1)  # [B, resolution, num_thetas]
    return ect

if __name__ == "__main__":
    import jax
    _d = setup_inputs()
    print(jax.jit(kernel)(*tuple(_d.values())))

</pallas_src>

<mosaic_0001>
#map = affine_map<(d0, d1) -> (0, 0)>
#map1 = affine_map<(d0, d1) -> (0, 0, 0)>
module attributes {stable_mosaic.version = 14 : i64} {
  func.func @_sc_hist_body(%arg0: i32, %arg1: i32, %arg2: memref<263680x128xi32, #tpu.memory_space<hbm>>, %arg3: memref<1x16xi32, #tpu.memory_space<hbm>>, %arg4: memref<8192x8x16xf32, #tpu.memory_space<hbm>>, %arg5: memref<1536x16xi32, #tpu.memory_space<vmem>>, %arg6: memref<1536x16xi32, #tpu.memory_space<vmem>>, %arg7: memref<32784xf32, #tpu.memory_space<vmem>>, %arg8: memref<2048x16xf32, #tpu.memory_space<vmem>>, %arg9: memref<16xi32, #tpu.memory_space<vmem>>, %arg10: memref<!tpu.dma_semaphore, #tpu.memory_space<semaphore_mem>>, %arg11: memref<!tpu.dma_semaphore, #tpu.memory_space<semaphore_mem>>) attributes {dimension_semantics = [#tpu.dimension_semantics<core_parallel>, #tpu.dimension_semantics<subcore_parallel>], iteration_bounds = array<i64: 2, 16>, scalar_prefetch = 0 : i64, scratch_operands = 7 : i64, tpu.core_type = #tpu.core_type<sc_vector_subcore>, window_params = [{transform_indices = #map}, {transform_indices = #map}, {transform_indices = #map1}]} {
    %mul3A = arith.constant 2 : i32
    %mul3A_0 = arith.muli %arg1, %mul3A : i32
    %add3A = arith.addi %mul3A_0, %arg0 : i32
    %jit3A = arith.constant 4 : i32
    %div3A = arith.divsi %add3A, %jit3A : i32
    %sign3A = arith.constant 0 : i32
    %sign3A_1 = arith.cmpi sgt, %add3A, %sign3A : i32
    %sign3A_2 = arith.extui %sign3A_1 : i1 to i32
    %sign3A_3 = arith.constant 0 : i32
    %sign3A_4 = arith.cmpi slt, %add3A, %sign3A_3 : i32
    %sign3A_5 = arith.extui %sign3A_4 : i1 to i32
    %sign3A_6 = arith.subi %sign3A_2, %sign3A_5 : i32
    %sign3A_7 = arith.constant 0 : i32
    %sign3A_8 = arith.cmpi sgt, %jit3A, %sign3A_7 : i32
    %sign3A_9 = arith.extui %sign3A_8 : i1 to i32
    %sign3A_10 = arith.constant 0 : i32
    %sign3A_11 = arith.cmpi slt, %jit3A, %sign3A_10 : i32
    %sign3A_12 = arith.extui %sign3A_11 : i1 to i32
    %sign3A_13 = arith.subi %sign3A_9, %sign3A_12 : i32
    %ne3A = arith.cmpi ne, %sign3A_6, %sign3A_13 : i32
    %rem3A = arith.remsi %add3A, %jit3A : i32
    %ne3A_14 = arith.constant 0 : i32
    %ne3A_15 = arith.cmpi ne, %rem3A, %ne3A_14 : i32
    %and3A = arith.andi %ne3A, %ne3A_15 : i1
    %sub3A = arith.constant 1 : i32
    %sub3A_16 = arith.subi %div3A, %sub3A : i32
    %select_n3A = arith.select %and3A, %sub3A_16, %div3A : i32
    %jit3A_17 = arith.constant 4 : i32
    %eq3A = arith.constant 0 : i32
    %eq3A_18 = arith.cmpi eq, %jit3A_17, %eq3A : i32
    %jit3A_19 = arith.constant 1 : i32
    %select_n3A_20 = arith.select %eq3A_18, %jit3A_19, %jit3A_17 : i32
    %rem3A_21 = arith.remsi %add3A, %select_n3A_20 : i32
    %ne3A_22 = arith.constant 0 : i32
    %ne3A_23 = arith.cmpi ne, %rem3A_21, %ne3A_22 : i32
    %lt3A = arith.constant 0 : i32
    %lt3A_24 = arith.cmpi slt, %rem3A_21, %lt3A : i32
    %lt3A_25 = arith.constant 0 : i32
    %lt3A_26 = arith.cmpi slt, %select_n3A_20, %lt3A_25 : i32
    %ne3A_27 = arith.xori %lt3A_24, %lt3A_26 : i1
    %and3A_28 = arith.andi %ne3A_27, %ne3A_23 : i1
    %add3A_29 = arith.addi %rem3A_21, %select_n3A_20 : i32
    %select_n3A_30 = arith.select %and3A_28, %add3A_29, %rem3A_21 : i32
    %run_scoped3A = arith.constant 0 : i32
    "tpu.region"() ({
      %run_scoped3A_302 = tpu.sem_alloc : memref<!tpu.dma_semaphore, #tpu.memory_space<semaphore_mem>>
      %dma_start3A_303 = arith.constant 0 : i32
      %dma_start3A_304 = tpu.memref_slice %arg3[%run_scoped3A, %dma_start3A_303] : memref<1x16xi32, #tpu.memory_space<hbm>> -> memref<1x16xi32, #tpu.memory_space<hbm>>
      %dma_start3A_305 = tpu.memref_squeeze %dma_start3A_304 : memref<1x16xi32, #tpu.memory_space<hbm>> -> memref<16xi32, #tpu.memory_space<hbm>>
      %dma_start3A_306 = arith.constant 0 : i32
      %dma_start3A_307 = tpu.memref_slice %arg3[%run_scoped3A, %dma_start3A_306] : memref<1x16xi32, #tpu.memory_space<hbm>> -> memref<1x16xi32, #tpu.memory_space<hbm>>
      %dma_start3A_308 = tpu.memref_squeeze %dma_start3A_307 : memref<1x16xi32, #tpu.memory_space<hbm>> -> memref<16xi32, #tpu.memory_space<hbm>>
      tpu.enqueue_dma source(%dma_start3A_308 : memref<16xi32, #tpu.memory_space<hbm>>) target(%arg9 : memref<16xi32, #tpu.memory_space<vmem>>) target_semaphore(%run_scoped3A_302 : memref<!tpu.dma_semaphore, #tpu.memory_space<semaphore_mem>>)
      %dma_wait3A = arith.constant 0 : i32
      %dma_wait3A_309 = tpu.memref_slice %arg3[%run_scoped3A, %dma_wait3A] : memref<1x16xi32, #tpu.memory_space<hbm>> -> memref<1x16xi32, #tpu.memory_space<hbm>>
      %dma_wait3A_310 = tpu.memref_squeeze %dma_wait3A_309 : memref<1x16xi32, #tpu.memory_space<hbm>> -> memref<16xi32, #tpu.memory_space<hbm>>
      %dma_wait3A_311 = arith.constant 0 : i32
      %dma_wait3A_312 = tpu.memref_slice %arg3[%run_scoped3A, %dma_wait3A_311] : memref<1x16xi32, #tpu.memory_space<hbm>> -> memref<1x16xi32, #tpu.memory_space<hbm>>
      %dma_wait3A_313 = tpu.memref_squeeze %dma_wait3A_312 : memref<1x16xi32, #tpu.memory_space<hbm>> -> memref<16xi32, #tpu.memory_space<hbm>>
      tpu.wait_dma2 semaphore(%run_scoped3A_302 : memref<!tpu.dma_semaphore, #tpu.memory_space<semaphore_mem>>) src(%dma_wait3A_313 : memref<16xi32, #tpu.memory_space<hbm>>) dst(%arg9 : memref<16xi32, #tpu.memory_space<vmem>>)
      tpu.yield
    }) : () -> ()
    %iota3A = tpu.iota {dimensions = array<i32: 0>} : vector<16xi32>
    %get3A = arith.constant 0 : index
    %get3A_31 = tpu.vector_load %arg9[%get3A] {strides = array<i32>} : memref<16xi32, #tpu.memory_space<vmem>>, vector<16xi32>,
    %eq3A_32 = arith.constant 0 : i32
    %eq3A_33 = vector.broadcast %eq3A_32 : i32 to vector<16xi32>
    %eq3A_34 = arith.cmpi eq, %iota3A, %eq3A_33 : vector<16xi32>
    %jit3A_35 = arith.constant 0 : i32
    %broadcast_in_dim3A = vector.broadcast %jit3A_35 : i32 to vector<16xi32>
    %select_n3A_36 = arith.select %eq3A_34, %get3A_31, %broadcast_in_dim3A : vector<16xi1>, vector<16xi32>
    %reduce_sum3A = arith.constant true
    %reduce_sum3A_37 = vector.broadcast %reduce_sum3A : i1 to vector<16xi1>
    %reduce_sum3A_38 = tpu.scan <sum>, %select_n3A_36 masked %reduce_sum3A_37 : vector<16xi32>, vector<16xi1> -> vector<16xi32>
    %reduce_sum3A_39 = vector.extract %reduce_sum3A_38[15] : i32 from vector<16xi32>
    %eq3A_40 = arith.constant 1 : i32
    %eq3A_41 = vector.broadcast %eq3A_40 : i32 to vector<16xi32>
    %eq3A_42 = arith.cmpi eq, %iota3A, %eq3A_41 : vector<16xi32>
    %jit3A_43 = arith.constant 0 : i32
    %broadcast_in_dim3A_44 = vector.broadcast %jit3A_43 : i32 to vector<16xi32>
    %select_n3A_45 = arith.select %eq3A_42, %get3A_31, %broadcast_in_dim3A_44 : vector<16xi1>, vector<16xi32>
    %reduce_sum3A_46 = arith.constant true
    %reduce_sum3A_47 = vector.broadcast %reduce_sum3A_46 : i1 to vector<16xi1>
    %reduce_sum3A_48 = tpu.scan <sum>, %select_n3A_45 masked %reduce_sum3A_47 : vector<16xi32>, vector<16xi1> -> vector<16xi32>
    %reduce_sum3A_49 = vector.extract %reduce_sum3A_48[15] : i32 from vector<16xi32>
    %eq3A_50 = arith.constant 2 : i32
    %eq3A_51 = vector.broadcast %eq3A_50 : i32 to vector<16xi32>
    %eq3A_52 = arith.cmpi eq, %iota3A, %eq3A_51 : vector<16xi32>
    %jit3A_53 = arith.constant 0 : i32
    %broadcast_in_dim3A_54 = vector.broadcast %jit3A_53 : i32 to vector<16xi32>
    %select_n3A_55 = arith.select %eq3A_52, %get3A_31, %broadcast_in_dim3A_54 : vector<16xi1>, vector<16xi32>
    %reduce_sum3A_56 = arith.constant true
    %reduce_sum3A_57 = vector.broadcast %reduce_sum3A_56 : i1 to vector<16xi1>
    %reduce_sum3A_58 = tpu.scan <sum>, %select_n3A_55 masked %reduce_sum3A_57 : vector<16xi32>, vector<16xi1> -> vector<16xi32>
    %reduce_sum3A_59 = vector.extract %reduce_sum3A_58[15] : i32 from vector<16xi32>
    %eq3A_60 = arith.constant 0 : i32
    %eq3A_61 = arith.cmpi eq, %select_n3A_30, %eq3A_60 : i32
    %eq3A_62 = arith.constant 1 : i32
    %eq3A_63 = arith.cmpi eq, %select_n3A_30, %eq3A_62 : i32
    %eq3A_64 = arith.constant 2 : i32
    %eq3A_65 = arith.cmpi eq, %select_n3A_30, %eq3A_64 : i32
    %select_n3A_66 = arith.select %eq3A_65, %reduce_sum3A_49, %reduce_sum3A_59 : i32
    %select_n3A_67 = arith.select %eq3A_63, %reduce_sum3A_39, %select_n3A_66 : i32
    %jit3A_68 = arith.constant 0 : i32
    %select_n3A_69 = arith.select %eq3A_61, %jit3A_68, %select_n3A_67 : i32
    %eq3A_70 = arith.constant 0 : i32
    %eq3A_71 = arith.cmpi eq, %select_n3A_30, %eq3A_70 : i32
    %eq3A_72 = arith.constant 1 : i32
    %eq3A_73 = arith.cmpi eq, %select_n3A_30, %eq3A_72 : i32
    %eq3A_74 = arith.constant 2 : i32
    %eq3A_75 = arith.cmpi eq, %select_n3A_30, %eq3A_74 : i32
    %jit3A_76 = arith.constant 262144 : i32
    %select_n3A_77 = arith.select %eq3A_75, %reduce_sum3A_59, %jit3A_76 : i32
    %select_n3A_78 = arith.select %eq3A_73, %reduce_sum3A_49, %select_n3A_77 : i32
    %select_n3A_79 = arith.select %eq3A_71, %reduce_sum3A_39, %select_n3A_78 : i32
    %broadcast_in_dim3A_80 = arith.constant 1.000000e+00 : f32
    %broadcast_in_dim3A_81 = vector.broadcast %broadcast_in_dim3A_80 : f32 to vector<16xf32>
    %broadcast_in_dim3A_82 = arith.constant 32768 : i32
    %broadcast_in_dim3A_83 = vector.broadcast %broadcast_in_dim3A_82 : i32 to vector<16xi32>
    %add3A_84 = arith.addi %broadcast_in_dim3A_83, %iota3A : vector<16xi32>
    %sub3A_85 = arith.subi %select_n3A_79, %select_n3A_69 : i32
    %add3A_86 = arith.constant 1535 : i32
    %add3A_87 = arith.addi %sub3A_85, %add3A_86 : i32
    %jit3A_88 = arith.constant 1536 : i32
    %div3A_89 = arith.divsi %add3A_87, %jit3A_88 : i32
    %sign3A_90 = arith.constant 0 : i32
    %sign3A_91 = arith.cmpi sgt, %add3A_87, %sign3A_90 : i32
    %sign3A_92 = arith.extui %sign3A_91 : i1 to i32
    %sign3A_93 = arith.constant 0 : i32
    %sign3A_94 = arith.cmpi slt, %add3A_87, %sign3A_93 : i32
    %sign3A_95 = arith.extui %sign3A_94 : i1 to i32
    %sign3A_96 = arith.subi %sign3A_92, %sign3A_95 : i32
    %sign3A_97 = arith.constant 0 : i32
    %sign3A_98 = arith.cmpi sgt, %jit3A_88, %sign3A_97 : i32
    %sign3A_99 = arith.extui %sign3A_98 : i1 to i32
    %sign3A_100 = arith.constant 0 : i32
    %sign3A_101 = arith.cmpi slt, %jit3A_88, %sign3A_100 : i32
    %sign3A_102 = arith.extui %sign3A_101 : i1 to i32
    %sign3A_103 = arith.subi %sign3A_99, %sign3A_102 : i32
    %ne3A_104 = arith.cmpi ne, %sign3A_96, %sign3A_103 : i32
    %rem3A_105 = arith.remsi %add3A_87, %jit3A_88 : i32
    %ne3A_106 = arith.constant 0 : i32
    %ne3A_107 = arith.cmpi ne, %rem3A_105, %ne3A_106 : i32
    %and3A_108 = arith.andi %ne3A_104, %ne3A_107 : i1
    %sub3A_109 = arith.constant 1 : i32
    %sub3A_110 = arith.subi %div3A_89, %sub3A_109 : i32
    %select_n3A_111 = arith.select %and3A_108, %sub3A_110, %div3A_89 : i32
    %add3A_112 = arith.constant 1 : i32
    %add3A_113 = arith.addi %select_n3A_111, %add3A_112 : i32
    %jit3A_114 = arith.constant 2 : i32
    %div3A_115 = arith.divsi %add3A_113, %jit3A_114 : i32
    %sign3A_116 = arith.constant 0 : i32
    %sign3A_117 = arith.cmpi sgt, %add3A_113, %sign3A_116 : i32
    %sign3A_118 = arith.extui %sign3A_117 : i1 to i32
    %sign3A_119 = arith.constant 0 : i32
    %sign3A_120 = arith.cmpi slt, %add3A_113, %sign3A_119 : i32
    %sign3A_121 = arith.extui %sign3A_120 : i1 to i32
    %sign3A_122 = arith.subi %sign3A_118, %sign3A_121 : i32
    %sign3A_123 = arith.constant 0 : i32
    %sign3A_124 = arith.cmpi sgt, %jit3A_114, %sign3A_123 : i32
    %sign3A_125 = arith.extui %sign3A_124 : i1 to i32
    %sign3A_126 = arith.constant 0 : i32
    %sign3A_127 = arith.cmpi slt, %jit3A_114, %sign3A_126 : i32
    %sign3A_128 = arith.extui %sign3A_127 : i1 to i32
    %sign3A_129 = arith.subi %sign3A_125, %sign3A_128 : i32
    %ne3A_130 = arith.cmpi ne, %sign3A_122, %sign3A_129 : i32
    %rem3A_131 = arith.remsi %add3A_113, %jit3A_114 : i32
    %ne3A_132 = arith.constant 0 : i32
    %ne3A_133 = arith.cmpi ne, %rem3A_131, %ne3A_132 : i32
    %and3A_134 = arith.andi %ne3A_130, %ne3A_133 : i1
    %sub3A_135 = arith.constant 1 : i32
    %sub3A_136 = arith.subi %div3A_115, %sub3A_135 : i32
    %select_n3A_137 = arith.select %and3A_134, %sub3A_136, %div3A_115 : i32
    %max3A = arith.constant 1 : i32
    %max3A_138 = arith.maxsi %max3A, %select_n3A_137 : i32
    %mul3A_139 = arith.constant 0 : i32
    %mul3A_140 = arith.constant 1536 : i32
    %mul3A_141 = arith.muli %mul3A_139, %mul3A_140 : i32
    %add3A_142 = arith.addi %select_n3A_69, %mul3A_141 : i32
    %min3A = arith.constant 262144 : i32
    %min3A_143 = arith.minsi %add3A_142, %min3A : i32
    %mul3A_144 = arith.constant 16 : i32
    %mul3A_145 = arith.muli %select_n3A, %mul3A_144 : i32
    %dma_start3A = tpu.memref_slice %arg2[%min3A_143, %mul3A_145] : memref<263680x128xi32, #tpu.memory_space<hbm>> -> memref<1536x16xi32, #tpu.memory_space<hbm>>
    %dma_start3A_146 = tpu.memref_slice %arg2[%min3A_143, %mul3A_145] : memref<263680x128xi32, #tpu.memory_space<hbm>> -> memref<1536x16xi32, #tpu.memory_space<hbm>>
    tpu.enqueue_dma source(%dma_start3A_146 : memref<1536x16xi32, #tpu.memory_space<hbm>>) target(%arg5 : memref<1536x16xi32, #tpu.memory_space<vmem>>) target_semaphore(%arg10 : memref<!tpu.dma_semaphore, #tpu.memory_space<semaphore_mem>>)
    %mul3A_147 = arith.constant 1 : i32
    %mul3A_148 = arith.constant 1536 : i32
    %mul3A_149 = arith.muli %mul3A_147, %mul3A_148 : i32
    %add3A_150 = arith.addi %select_n3A_69, %mul3A_149 : i32
    %min3A_151 = arith.constant 262144 : i32
    %min3A_152 = arith.minsi %add3A_150, %min3A_151 : i32
    %mul3A_153 = arith.constant 16 : i32
    %mul3A_154 = arith.muli %select_n3A, %mul3A_153 : i32
    %dma_start3A_155 = tpu.memref_slice %arg2[%min3A_152, %mul3A_154] : memref<263680x128xi32, #tpu.memory_space<hbm>> -> memref<1536x16xi32, #tpu.memory_space<hbm>>
    %dma_start3A_156 = tpu.memref_slice %arg2[%min3A_152, %mul3A_154] : memref<263680x128xi32, #tpu.memory_space<hbm>> -> memref<1536x16xi32, #tpu.memory_space<hbm>>
    tpu.enqueue_dma source(%dma_start3A_156 : memref<1536x16xi32, #tpu.memory_space<hbm>>) target(%arg6 : memref<1536x16xi32, #tpu.memory_space<vmem>>) target_semaphore(%arg11 : memref<!tpu.dma_semaphore, #tpu.memory_space<semaphore_mem>>)
    %broadcast_in_dim3A_157 = arith.constant 0.000000e+00 : f32
    %broadcast_in_dim3A_158 = vector.broadcast %broadcast_in_dim3A_157 : f32 to vector<16xf32>
    %scan3A = arith.constant 0 : i32
    %scan3A_159 = arith.constant 2049 : i32
    %scan3A_160 = arith.addi %scan3A, %scan3A_159 : i32
    %scan3A_161 = arith.constant 1 : i32
    scf.for %scan3A_302 = %scan3A to %scan3A_160 step %scan3A_161  : i32 {
      %mul3A_303 = arith.constant 16 : i32
      %mul3A_304 = arith.muli %scan3A_302, %mul3A_303 : i32
      %add3A_305 = arith.constant 0 : i32
      %add3A_306 = arith.addi %add3A_305, %mul3A_304 : i32
      %swap3A = arith.index_cast %add3A_306 : i32 to index
      %swap3A_307 = tpu.vector_load %arg7[%swap3A] {strides = array<i32>} : memref<32784xf32, #tpu.memory_space<vmem>>, vector<16xf32>,
      tpu.vector_store %arg7[%swap3A], %broadcast_in_dim3A_158 {strides = array<i32>} : memref<32784xf32, #tpu.memory_space<vmem>>, vector<16xf32>,
    }
    %scan3A_162 = arith.constant 2049 : i32
    %while3A = arith.constant 0 : i32
    %while3A_163 = arith.constant 0 : i32
    %while3A_164 = arith.subi %max3A_138, %while3A_163 : i32
    %while3A_165 = arith.addi %while3A_163, %while3A_164 : i32
    %while3A_166 = arith.constant 1 : i32
    %while3A_167 = arith.divsi %while3A_164, %while3A_166 : i32
    %while3A_168 = arith.muli %while3A_167, %while3A_166 : i32
    %while3A_169 = arith.addi %while3A_163, %while3A_168 : i32
    %while3A_170 = arith.constant 1 : i32
    scf.for %while3A_302 = %while3A_163 to %while3A_169 step %while3A_170  : i32 {
      %add3A_303 = arith.constant 1 : i32
      %add3A_304 = arith.addi %while3A_302, %add3A_303 : i32
      %lt3A_305 = arith.cmpi slt, %add3A_304, %max3A_138 : i32
      %mul3A_306 = arith.constant 2 : i32
      %mul3A_307 = arith.muli %mul3A_306, %while3A_302 : i32
      %dma_wait3A = arith.constant 0 : i32
      %dma_wait3A_308 = arith.constant 0 : i32
      %dma_wait3A_309 = tpu.memref_slice %arg2[%dma_wait3A, %dma_wait3A_308] : memref<263680x128xi32, #tpu.memory_space<hbm>> -> memref<1536x16xi32, #tpu.memory_space<hbm>>
      %dma_wait3A_310 = arith.constant 0 : i32
      %dma_wait3A_311 = arith.constant 0 : i32
      %dma_wait3A_312 = tpu.memref_slice %arg2[%dma_wait3A_310, %dma_wait3A_311] : memref<263680x128xi32, #tpu.memory_space<hbm>> -> memref<1536x16xi32, #tpu.memory_space<hbm>>
      tpu.wait_dma2 semaphore(%arg10 : memref<!tpu.dma_semaphore, #tpu.memory_space<semaphore_mem>>) src(%dma_wait3A_312 : memref<1536x16xi32, #tpu.memory_space<hbm>>) dst(%arg5 : memref<1536x16xi32, #tpu.memory_space<vmem>>)
      %mul3A_313 = arith.constant 1536 : i32
      %mul3A_314 = arith.muli %mul3A_307, %mul3A_313 : i32
      %add3A_315 = arith.addi %select_n3A_69, %mul3A_314 : i32
      %sub3A_316 = arith.subi %select_n3A_79, %add3A_315 : i32
      %jit3A_317 = arith.constant 0 : i32
      %jit3A_318 = arith.constant 1536 : i32
      %max3A_319 = arith.maxsi %jit3A_317, %sub3A_316 : i32
      %min3A_320 = arith.minsi %jit3A_318, %max3A_319 : i32
      %while3A_321 = arith.constant 0 : i32
      %while3A_322 = arith.constant 1536 : i32
      %while3A_323 = arith.subi %while3A_322, %min3A_320 : i32
      %while3A_324 = arith.addi %min3A_320, %while3A_323 : i32
      %while3A_325 = arith.constant 1 : i32
      %while3A_326 = arith.divsi %while3A_323, %while3A_325 : i32
      %while3A_327 = arith.muli %while3A_326, %while3A_325 : i32
      %while3A_328 = arith.addi %min3A_320, %while3A_327 : i32
      %while3A_329 = arith.constant 1 : i32
      scf.for %while3A_373 = %min3A_320 to %while3A_328 step %while3A_329  : i32 {
        %swap3A = arith.index_cast %while3A_373 : i32 to index
        %swap3A_374 = arith.constant 0 : index
        %swap3A_375 = tpu.vector_load %arg5[%swap3A, %swap3A_374] {strides = array<i32>} : memref<1536x16xi32, #tpu.memory_space<vmem>>, vector<16xi32>,
        tpu.vector_store %arg5[%swap3A, %swap3A_374], %add3A_84 {strides = array<i32>} : memref<1536x16xi32, #tpu.memory_space<vmem>>, vector<16xi32>,
      }
      %while3A_330 = arith.constant 1 : i32
      scf.for %while3A_373 = %while3A_328 to %while3A_324 step %while3A_330  : i32 {
        %swap3A = arith.index_cast %while3A_373 : i32 to index
        %swap3A_374 = arith.constant 0 : index
        %swap3A_375 = tpu.vector_load %arg5[%swap3A, %swap3A_374] {strides = array<i32>} : memref<1536x16xi32, #tpu.memory_space<vmem>>, vector<16xi32>,
        tpu.vector_store %arg5[%swap3A, %swap3A_374], %add3A_84 {strides = array<i32>} : memref<1536x16xi32, #tpu.memory_space<vmem>>, vector<16xi32>,
      }
      %scan3A_331 = arith.constant 0 : i32
      %scan3A_332 = arith.constant 96 : i32
      %scan3A_333 = arith.addi %scan3A_331, %scan3A_332 : i32
      %scan3A_334 = arith.constant 1 : i32
      scf.for %scan3A_373 = %scan3A_331 to %scan3A_333 step %scan3A_334  : i32 {
        %mul3A_374 = arith.constant 16 : i32
        %mul3A_375 = arith.muli %scan3A_373, %mul3A_374 : i32
        %add3A_376 = arith.constant 0 : i32
        %add3A_377 = arith.addi %add3A_376, %mul3A_375 : i32
        %add3A_378 = arith.constant 0 : i32
        %add3A_379 = arith.addi %add3A_377, %add3A_378 : i32
        %get3A_380 = arith.index_cast %add3A_379 : i32 to index
        %get3A_381 = arith.constant 0 : index
        %get3A_382 = tpu.vector_load %arg5[%get3A_380, %get3A_381] {strides = array<i32>} : memref<1536x16xi32, #tpu.memory_space<vmem>>, vector<16xi32>,
        %add3A_383 = arith.constant 1 : i32
        %add3A_384 = arith.addi %add3A_377, %add3A_383 : i32
        %get3A_385 = arith.index_cast %add3A_384 : i32 to index
        %get3A_386 = arith.constant 0 : index
        %get3A_387 = tpu.vector_load %arg5[%get3A_385, %get3A_386] {strides = array<i32>} : memref<1536x16xi32, #tpu.memory_space<vmem>>, vector<16xi32>,
        %add3A_388 = arith.constant 2 : i32
        %add3A_389 = arith.addi %add3A_377, %add3A_388 : i32
        %get3A_390 = arith.index_cast %add3A_389 : i32 to index
        %get3A_391 = arith.constant 0 : index
        %get3A_392 = tpu.vector_load %arg5[%get3A_390, %get3A_391] {strides = array<i32>} : memref<1536x16xi32, #tpu.memory_space<vmem>>, vector<16xi32>,
        %add3A_393 = arith.constant 3 : i32
        %add3A_394 = arith.addi %add3A_377, %add3A_393 : i32
        %get3A_395 = arith.index_cast %add3A_394 : i32 to index
        %get3A_396 = arith.constant 0 : index
        %get3A_397 = tpu.vector_load %arg5[%get3A_395, %get3A_396] {strides = array<i32>} : memref<1536x16xi32, #tpu.memory_space<vmem>>, vector<16xi32>,
        %add3A_398 = arith.constant 4 : i32
        %add3A_399 = arith.addi %add3A_377, %add3A_398 : i32
        %get3A_400 = arith.index_cast %add3A_399 : i32 to index
        %get3A_401 = arith.constant 0 : index
        %get3A_402 = tpu.vector_load %arg5[%get3A_400, %get3A_401] {strides = array<i32>} : memref<1536x16xi32, #tpu.memory_space<vmem>>, vector<16xi32>,
        %add3A_403 = arith.constant 5 : i32
        %add3A_404 = arith.addi %add3A_377, %add3A_403 : i32
        %get3A_405 = arith.index_cast %add3A_404 : i32 to index
        %get3A_406 = arith.constant 0 : index
        %get3A_407 = tpu.vector_load %arg5[%get3A_405, %get3A_406] {strides = array<i32>} : memref<1536x16xi32, #tpu.memory_space<vmem>>, vector<16xi32>,
        %add3A_408 = arith.constant 6 : i32
        %add3A_409 = arith.addi %add3A_377, %add3A_408 : i32
        %get3A_410 = arith.index_cast %add3A_409 : i32 to index
        %get3A_411 = arith.constant 0 : index
        %get3A_412 = tpu.vector_load %arg5[%get3A_410, %get3A_411] {strides = array<i32>} : memref<1536x16xi32, #tpu.memory_space<vmem>>, vector<16xi32>,
        %add3A_413 = arith.constant 7 : i32
        %add3A_414 = arith.addi %add3A_377, %add3A_413 : i32
        %get3A_415 = arith.index_cast %add3A_414 : i32 to index
        %get3A_416 = arith.constant 0 : index
        %get3A_417 = tpu.vector_load %arg5[%get3A_415, %get3A_416] {strides = array<i32>} : memref<1536x16xi32, #tpu.memory_space<vmem>>, vector<16xi32>,
        %add3A_418 = arith.constant 8 : i32
        %add3A_419 = arith.addi %add3A_377, %add3A_418 : i32
        %get3A_420 = arith.index_cast %add3A_419 : i32 to index
        %get3A_421 = arith.constant 0 : index
        %get3A_422 = tpu.vector_load %arg5[%get3A_420, %get3A_421] {strides = array<i32>} : memref<1536x16xi32, #tpu.memory_space<vmem>>, vector<16xi32>,
        %add3A_423 = arith.constant 9 : i32
        %add3A_424 = arith.addi %add3A_377, %add3A_423 : i32
        %get3A_425 = arith.index_cast %add3A_424 : i32 to index
        %get3A_426 = arith.constant 0 : index
        %get3A_427 = tpu.vector_load %arg5[%get3A_425, %get3A_426] {strides = array<i32>} : memref<1536x16xi32, #tpu.memory_space<vmem>>, vector<16xi32>,
        %add3A_428 = arith.constant 10 : i32
        %add3A_429 = arith.addi %add3A_377, %add3A_428 : i32
        %get3A_430 = arith.index_cast %add3A_429 : i32 to index
        %get3A_431 = arith.constant 0 : index
        %get3A_432 = tpu.vector_load %arg5[%get3A_430, %get3A_431] {strides = array<i32>} : memref<1536x16xi32, #tpu.memory_space<vmem>>, vector<16xi32>,
        %add3A_433 = arith.constant 11 : i32
        %add3A_434 = arith.addi %add3A_377, %add3A_433 : i32
        %get3A_435 = arith.index_cast %add3A_434 : i32 to index
        %get3A_436 = arith.constant 0 : index
        %get3A_437 = tpu.vector_load %arg5[%get3A_435, %get3A_436] {strides = array<i32>} : memref<1536x16xi32, #tpu.memory_space<vmem>>, vector<16xi32>,
        %add3A_438 = arith.constant 12 : i32
        %add3A_439 = arith.addi %add3A_377, %add3A_438 : i32
        %get3A_440 = arith.index_cast %add3A_439 : i32 to index
        %get3A_441 = arith.constant 0 : index
        %get3A_442 = tpu.vector_load %arg5[%get3A_440, %get3A_441] {strides = array<i32>} : memref<1536x16xi32, #tpu.memory_space<vmem>>, vector<16xi32>,
        %add3A_443 = arith.constant 13 : i32
        %add3A_444 = arith.addi %add3A_377, %add3A_443 : i32
        %get3A_445 = arith.index_cast %add3A_444 : i32 to index
        %get3A_446 = arith.constant 0 : index
        %get3A_447 = tpu.vector_load %arg5[%get3A_445, %get3A_446] {strides = array<i32>} : memref<1536x16xi32, #tpu.memory_space<vmem>>, vector<16xi32>,
        %add3A_448 = arith.constant 14 : i32
        %add3A_449 = arith.addi %add3A_377, %add3A_448 : i32
        %get3A_450 = arith.index_cast %add3A_449 : i32 to index
        %get3A_451 = arith.constant 0 : index
        %get3A_452 = tpu.vector_load %arg5[%get3A_450, %get3A_451] {strides = array<i32>} : memref<1536x16xi32, #tpu.memory_space<vmem>>, vector<16xi32>,
        %add3A_453 = arith.constant 15 : i32
        %add3A_454 = arith.addi %add3A_377, %add3A_453 : i32
        %get3A_455 = arith.index_cast %add3A_454 : i32 to index
        %get3A_456 = arith.constant 0 : index
        %get3A_457 = tpu.vector_load %arg5[%get3A_455, %get3A_456] {strides = array<i32>} : memref<1536x16xi32, #tpu.memory_space<vmem>>, vector<16xi32>,
        tpu.vector_store_idx %arg7[%get3A_382], %broadcast_in_dim3A_81 {add = true} : memref<32784xf32, #tpu.memory_space<vmem>>[vector<16xi32>], vector<16xf32>,
        tpu.vector_store_idx %arg7[%get3A_387], %broadcast_in_dim3A_81 {add = true} : memref<32784xf32, #tpu.memory_space<vmem>>[vector<16xi32>], vector<16xf32>,
        tpu.vector_store_idx %arg7[%get3A_392], %broadcast_in_dim3A_81 {add = true} : memref<32784xf32, #tpu.memory_space<vmem>>[vector<16xi32>], vector<16xf32>,
        tpu.vector_store_idx %arg7[%get3A_397], %broadcast_in_dim3A_81 {add = true} : memref<32784xf32, #tpu.memory_space<vmem>>[vector<16xi32>], vector<16xf32>,
        tpu.vector_store_idx %arg7[%get3A_402], %broadcast_in_dim3A_81 {add = true} : memref<32784xf32, #tpu.memory_space<vmem>>[vector<16xi32>], vector<16xf32>,
        tpu.vector_store_idx %arg7[%get3A_407], %broadcast_in_dim3A_81 {add = true} : memref<32784xf32, #tpu.memory_space<vmem>>[vector<16xi32>], vector<16xf32>,
        tpu.vector_store_idx %arg7[%get3A_412], %broadcast_in_dim3A_81 {add = true} : memref<32784xf32, #tpu.memory_space<vmem>>[vector<16xi32>], vector<16xf32>,
        tpu.vector_store_idx %arg7[%get3A_417], %broadcast_in_dim3A_81 {add = true} : memref<32784xf32, #tpu.memory_space<vmem>>[vector<16xi32>], vector<16xf32>,
        tpu.vector_store_idx %arg7[%get3A_422], %broadcast_in_dim3A_81 {add = true} : memref<32784xf32, #tpu.memory_space<vmem>>[vector<16xi32>], vector<16xf32>,
        tpu.vector_store_idx %arg7[%get3A_427], %broadcast_in_dim3A_81 {add = true} : memref<32784xf32, #tpu.memory_space<vmem>>[vector<16xi32>], vector<16xf32>,
        tpu.vector_store_idx %arg7[%get3A_432], %broadcast_in_dim3A_81 {add = true} : memref<32784xf32, #tpu.memory_space<vmem>>[vector<16xi32>], vector<16xf32>,
        tpu.vector_store_idx %arg7[%get3A_437], %broadcast_in_dim3A_81 {add = true} : memref<32784xf32, #tpu.memory_space<vmem>>[vector<16xi32>], vector<16xf32>,
        tpu.vector_store_idx %arg7[%get3A_442], %broadcast_in_dim3A_81 {add = true} : memref<32784xf32, #tpu.memory_space<vmem>>[vector<16xi32>], vector<16xf32>,
        tpu.vector_store_idx %arg7[%get3A_447], %broadcast_in_dim3A_81 {add = true} : memref<32784xf32, #tpu.memory_space<vmem>>[vector<16xi32>], vector<16xf32>,
        tpu.vector_store_idx %arg7[%get3A_452], %broadcast_in_dim3A_81 {add = true} : memref<32784xf32, #tpu.memory_space<vmem>>[vector<16xi32>], vector<16xf32>,
        tpu.vector_store_idx %arg7[%get3A_457], %broadcast_in_dim3A_81 {add = true} : memref<32784xf32, #tpu.memory_space<vmem>>[vector<16xi32>], vector<16xf32>,
      }
      %scan3A_335 = arith.constant 96 : i32
      %convert_element_type3A = arith.extui %lt3A_305 : i1 to i32
      %cond3A = arith.constant 0 : i32
      %cond3A_336 = arith.cmpi ne, %convert_element_type3A, %cond3A : i32
      scf.if %cond3A_336 {
        %mul3A_373 = arith.constant 2 : i32
        %mul3A_374 = arith.muli %mul3A_373, %while3A_302 : i32
        %add3A_375 = arith.constant 2 : i32
        %add3A_376 = arith.addi %mul3A_374, %add3A_375 : i32
        %mul3A_377 = arith.constant 1536 : i32
        %mul3A_378 = arith.muli %add3A_376, %mul3A_377 : i32
        %add3A_379 = arith.addi %select_n3A_69, %mul3A_378 : i32
        %min3A_380 = arith.constant 262144 : i32
        %min3A_381 = arith.minsi %add3A_379, %min3A_380 : i32
        %mul3A_382 = arith.constant 16 : i32
        %mul3A_383 = arith.muli %select_n3A, %mul3A_382 : i32
        %dma_start3A_384 = tpu.memref_slice %arg2[%min3A_381, %mul3A_383] : memref<263680x128xi32, #tpu.memory_space<hbm>> -> memref<1536x16xi32, #tpu.memory_space<hbm>>
        %dma_start3A_385 = tpu.memref_slice %arg2[%min3A_381, %mul3A_383] : memref<263680x128xi32, #tpu.memory_space<hbm>> -> memref<1536x16xi32, #tpu.memory_space<hbm>>
        tpu.enqueue_dma source(%dma_start3A_385 : memref<1536x16xi32, #tpu.memory_space<hbm>>) target(%arg5 : memref<1536x16xi32, #tpu.memory_space<vmem>>) target_semaphore(%arg10 : memref<!tpu.dma_semaphore, #tpu.memory_space<semaphore_mem>>)
      } else {
      }
      %mul3A_337 = arith.constant 2 : i32
      %mul3A_338 = arith.muli %mul3A_337, %while3A_302 : i32
      %add3A_339 = arith.constant 1 : i32
      %add3A_340 = arith.addi %mul3A_338, %add3A_339 : i32
      %dma_wait3A_341 = arith.constant 0 : i32
      %dma_wait3A_342 = arith.constant 0 : i32
      %dma_wait3A_343 = tpu.memref_slice %arg2[%dma_wait3A_341, %dma_wait3A_342] : memref<263680x128xi32, #tpu.memory_space<hbm>> -> memref<1536x16xi32, #tpu.memory_space<hbm>>
      %dma_wait3A_344 = arith.constant 0 : i32
      %dma_wait3A_345 = arith.constant 0 : i32
      %dma_wait3A_346 = tpu.memref_slice %arg2[%dma_wait3A_344, %dma_wait3A_345] : memref<263680x128xi32, #tpu.memory_space<hbm>> -> memref<1536x16xi32, #tpu.memory_space<hbm>>
      tpu.wait_dma2 semaphore(%arg11 : memref<!tpu.dma_semaphore, #tpu.memory_space<semaphore_mem>>) src(%dma_wait3A_346 : memref<1536x16xi32, #tpu.memory_space<hbm>>) dst(%arg6 : memref<1536x16xi32, #tpu.memory_space<vmem>>)
      %mul3A_347 = arith.constant 1536 : i32
      %mul3A_348 = arith.muli %add3A_340, %mul3A_347 : i32
      %add3A_349 = arith.addi %select_n3A_69, %mul3A_348 : i32
      %sub3A_350 = arith.subi %select_n3A_79, %add3A_349 : i32
      %jit3A_351 = arith.constant 0 : i32
      %jit3A_352 = arith.constant 1536 : i32
      %max3A_353 = arith.maxsi %jit3A_351, %sub3A_350 : i32
      %min3A_354 = arith.minsi %jit3A_352, %max3A_353 : i32
      %while3A_355 = arith.constant 0 : i32
      %while3A_356 = arith.constant 1536 : i32
      %while3A_357 = arith.subi %while3A_356, %min3A_354 : i32
      %while3A_358 = arith.addi %min3A_354, %while3A_357 : i32
      %while3A_359 = arith.constant 1 : i32
      %while3A_360 = arith.divsi %while3A_357, %while3A_359 : i32
      %while3A_361 = arith.muli %while3A_360, %while3A_359 : i32
      %while3A_362 = arith.addi %min3A_354, %while3A_361 : i32
      %while3A_363 = arith.constant 1 : i32
      scf.for %while3A_373 = %min3A_354 to %while3A_362 step %while3A_363  : i32 {
        %swap3A = arith.index_cast %while3A_373 : i32 to index
        %swap3A_374 = arith.constant 0 : index
        %swap3A_375 = tpu.vector_load %arg6[%swap3A, %swap3A_374] {strides = array<i32>} : memref<1536x16xi32, #tpu.memory_space<vmem>>, vector<16xi32>,
        tpu.vector_store %arg6[%swap3A, %swap3A_374], %add3A_84 {strides = array<i32>} : memref<1536x16xi32, #tpu.memory_space<vmem>>, vector<16xi32>,
      }
      %while3A_364 = arith.constant 1 : i32
      scf.for %while3A_373 = %while3A_362 to %while3A_358 step %while3A_364  : i32 {
        %swap3A = arith.index_cast %while3A_373 : i32 to index
        %swap3A_374 = arith.constant 0 : index
        %swap3A_375 = tpu.vector_load %arg6[%swap3A, %swap3A_374] {strides = array<i32>} : memref<1536x16xi32, #tpu.memory_space<vmem>>, vector<16xi32>,
        tpu.vector_store %arg6[%swap3A, %swap3A_374], %add3A_84 {strides = array<i32>} : memref<1536x16xi32, #tpu.memory_space<vmem>>, vector<16xi32>,
      }
      %scan3A_365 = arith.constant 0 : i32
      %scan3A_366 = arith.constant 96 : i32
      %scan3A_367 = arith.addi %scan3A_365, %scan3A_366 : i32
      %scan3A_368 = arith.constant 1 : i32
      scf.for %scan3A_373 = %scan3A_365 to %scan3A_367 step %scan3A_368  : i32 {
        %mul3A_374 = arith.constant 16 : i32
        %mul3A_375 = arith.muli %scan3A_373, %mul3A_374 : i32
        %add3A_376 = arith.constant 0 : i32
        %add3A_377 = arith.addi %add3A_376, %mul3A_375 : i32
        %add3A_378 = arith.constant 0 : i32
        %add3A_379 = arith.addi %add3A_377, %add3A_378 : i32
        %get3A_380 = arith.index_cast %add3A_379 : i32 to index
        %get3A_381 = arith.constant 0 : index
        %get3A_382 = tpu.vector_load %arg6[%get3A_380, %get3A_381] {strides = array<i32>} : memref<1536x16xi32, #tpu.memory_space<vmem>>, vector<16xi32>,
        %add3A_383 = arith.constant 1 : i32
        %add3A_384 = arith.addi %add3A_377, %add3A_383 : i32
        %get3A_385 = arith.index_cast %add3A_384 : i32 to index
        %get3A_386 = arith.constant 0 : index
        %get3A_387 = tpu.vector_load %arg6[%get3A_385, %get3A_386] {strides = array<i32>} : memref<1536x16xi32, #tpu.memory_space<vmem>>, vector<16xi32>,
        %add3A_388 = arith.constant 2 : i32
        %add3A_389 = arith.addi %add3A_377, %add3A_388 : i32
        %get3A_390 = arith.index_cast %add3A_389 : i32 to index
        %get3A_391 = arith.constant 0 : index
        %get3A_392 = tpu.vector_load %arg6[%get3A_390, %get3A_391] {strides = array<i32>} : memref<1536x16xi32, #tpu.memory_space<vmem>>, vector<16xi32>,
        %add3A_393 = arith.constant 3 : i32
        %add3A_394 = arith.addi %add3A_377, %add3A_393 : i32
        %get3A_395 = arith.index_cast %add3A_394 : i32 to index
        %get3A_396 = arith.constant 0 : index
        %get3A_397 = tpu.vector_load %arg6[%get3A_395, %get3A_396] {strides = array<i32>} : memref<1536x16xi32, #tpu.memory_space<vmem>>, vector<16xi32>,
        %add3A_398 = arith.constant 4 : i32
        %add3A_399 = arith.addi %add3A_377, %add3A_398 : i32
        %get3A_400 = arith.index_cast %add3A_399 : i32 to index
        %get3A_401 = arith.constant 0 : index
        %get3A_402 = tpu.vector_load %arg6[%get3A_400, %get3A_401] {strides = array<i32>} : memref<1536x16xi32, #tpu.memory_space<vmem>>, vector<16xi32>,
        %add3A_403 = arith.constant 5 : i32
        %add3A_404 = arith.addi %add3A_377, %add3A_403 : i32
        %get3A_405 = arith.index_cast %add3A_404 : i32 to index
        %get3A_406 = arith.constant 0 : index
        %get3A_407 = tpu.vector_load %arg6[%get3A_405, %get3A_406] {strides = array<i32>} : memref<1536x16xi32, #tpu.memory_space<vmem>>, vector<16xi32>,
        %add3A_408 = arith.constant 6 : i32
        %add3A_409 = arith.addi %add3A_377, %add3A_408 : i32
        %get3A_410 = arith.index_cast %add3A_409 : i32 to index
        %get3A_411 = arith.constant 0 : index
        %get3A_412 = tpu.vector_load %arg6[%get3A_410, %get3A_411] {strides = array<i32>} : memref<1536x16xi32, #tpu.memory_space<vmem>>, vector<16xi32>,
        %add3A_413 = arith.constant 7 : i32
        %add3A_414 = arith.addi %add3A_377, %add3A_413 : i32
        %get3A_415 = arith.index_cast %add3A_414 : i32 to index
        %get3A_416 = arith.constant 0 : index
        %get3A_417 = tpu.vector_load %arg6[%get3A_415, %get3A_416] {strides = array<i32>} : memref<1536x16xi32, #tpu.memory_space<vmem>>, vector<16xi32>,
        %add3A_418 = arith.constant 8 : i32
        %add3A_419 = arith.addi %add3A_377, %add3A_418 : i32
        %get3A_420 = arith.index_cast %add3A_419 : i32 to index
        %get3A_421 = arith.constant 0 : index
        %get3A_422 = tpu.vector_load %arg6[%get3A_420, %get3A_421] {strides = array<i32>} : memref<1536x16xi32, #tpu.memory_space<vmem>>, vector<16xi32>,
        %add3A_423 = arith.constant 9 : i32
        %add3A_424 = arith.addi %add3A_377, %add3A_423 : i32
        %get3A_425 = arith.index_cast %add3A_424 : i32 to index
        %get3A_426 = arith.constant 0 : index
        %get3A_427 = tpu.vector_load %arg6[%get3A_425, %get3A_426] {strides = array<i32>} : memref<1536x16xi32, #tpu.memory_space<vmem>>, vector<16xi32>,
        %add3A_428 = arith.constant 10 : i32
        %add3A_429 = arith.addi %add3A_377, %add3A_428 : i32
        %get3A_430 = arith.index_cast %add3A_429 : i32 to index
        %get3A_431 = arith.constant 0 : index
        %get3A_432 = tpu.vector_load %arg6[%get3A_430, %get3A_431] {strides = array<i32>} : memref<1536x16xi32, #tpu.memory_space<vmem>>, vector<16xi32>,
        %add3A_433 = arith.constant 11 : i32
        %add3A_434 = arith.addi %add3A_377, %add3A_433 : i32
        %get3A_435 = arith.index_cast %add3A_434 : i32 to index
        %get3A_436 = arith.constant 0 : index
        %get3A_437 = tpu.vector_load %arg6[%get3A_435, %get3A_436] {strides = array<i32>} : memref<1536x16xi32, #tpu.memory_space<vmem>>, vector<16xi32>,
        %add3A_438 = arith.constant 12 : i32
        %add3A_439 = arith.addi %add3A_377, %add3A_438 : i32
        %get3A_440 = arith.index_cast %add3A_439 : i32 to index
        %get3A_441 = arith.constant 0 : index
        %get3A_442 = tpu.vector_load %arg6[%get3A_440, %get3A_441] {strides = array<i32>} : memref<1536x16xi32, #tpu.memory_space<vmem>>, vector<16xi32>,
        %add3A_443 = arith.constant 13 : i32
        %add3A_444 = arith.addi %add3A_377, %add3A_443 : i32
        %get3A_445 = arith.index_cast %add3A_444 : i32 to index
        %get3A_446 = arith.constant 0 : index
        %get3A_447 = tpu.vector_load %arg6[%get3A_445, %get3A_446] {strides = array<i32>} : memref<1536x16xi32, #tpu.memory_space<vmem>>, vector<16xi32>,
        %add3A_448 = arith.constant 14 : i32
        %add3A_449 = arith.addi %add3A_377, %add3A_448 : i32
        %get3A_450 = arith.index_cast %add3A_449 : i32 to index
        %get3A_451 = arith.constant 0 : index
        %get3A_452 = tpu.vector_load %arg6[%get3A_450, %get3A_451] {strides = array<i32>} : memref<1536x16xi32, #tpu.memory_space<vmem>>, vector<16xi32>,
        %add3A_453 = arith.constant 15 : i32
        %add3A_454 = arith.addi %add3A_377, %add3A_453 : i32
        %get3A_455 = arith.index_cast %add3A_454 : i32 to index
        %get3A_456 = arith.constant 0 : index
        %get3A_457 = tpu.vector_load %arg6[%get3A_455, %get3A_456] {strides = array<i32>} : memref<1536x16xi32, #tpu.memory_space<vmem>>, vector<16xi32>,
        tpu.vector_store_idx %arg7[%get3A_382], %broadcast_in_dim3A_81 {add = true} : memref<32784xf32, #tpu.memory_space<vmem>>[vector<16xi32>], vector<16xf32>,
        tpu.vector_store_idx %arg7[%get3A_387], %broadcast_in_dim3A_81 {add = true} : memref<32784xf32, #tpu.memory_space<vmem>>[vector<16xi32>], vector<16xf32>,
        tpu.vector_store_idx %arg7[%get3A_392], %broadcast_in_dim3A_81 {add = true} : memref<32784xf32, #tpu.memory_space<vmem>>[vector<16xi32>], vector<16xf32>,
        tpu.vector_store_idx %arg7[%get3A_397], %broadcast_in_dim3A_81 {add = true} : memref<32784xf32, #tpu.memory_space<vmem>>[vector<16xi32>], vector<16xf32>,
        tpu.vector_store_idx %arg7[%get3A_402], %broadcast_in_dim3A_81 {add = true} : memref<32784xf32, #tpu.memory_space<vmem>>[vector<16xi32>], vector<16xf32>,
        tpu.vector_store_idx %arg7[%get3A_407], %broadcast_in_dim3A_81 {add = true} : memref<32784xf32, #tpu.memory_space<vmem>>[vector<16xi32>], vector<16xf32>,
        tpu.vector_store_idx %arg7[%get3A_412], %broadcast_in_dim3A_81 {add = true} : memref<32784xf32, #tpu.memory_space<vmem>>[vector<16xi32>], vector<16xf32>,
        tpu.vector_store_idx %arg7[%get3A_417], %broadcast_in_dim3A_81 {add = true} : memref<32784xf32, #tpu.memory_space<vmem>>[vector<16xi32>], vector<16xf32>,
        tpu.vector_store_idx %arg7[%get3A_422], %broadcast_in_dim3A_81 {add = true} : memref<32784xf32, #tpu.memory_space<vmem>>[vector<16xi32>], vector<16xf32>,
        tpu.vector_store_idx %arg7[%get3A_427], %broadcast_in_dim3A_81 {add = true} : memref<32784xf32, #tpu.memory_space<vmem>>[vector<16xi32>], vector<16xf32>,
        tpu.vector_store_idx %arg7[%get3A_432], %broadcast_in_dim3A_81 {add = true} : memref<32784xf32, #tpu.memory_space<vmem>>[vector<16xi32>], vector<16xf32>,
        tpu.vector_store_idx %arg7[%get3A_437], %broadcast_in_dim3A_81 {add = true} : memref<32784xf32, #tpu.memory_space<vmem>>[vector<16xi32>], vector<16xf32>,
        tpu.vector_store_idx %arg7[%get3A_442], %broadcast_in_dim3A_81 {add = true} : memref<32784xf32, #tpu.memory_space<vmem>>[vector<16xi32>], vector<16xf32>,
        tpu.vector_store_idx %arg7[%get3A_447], %broadcast_in_dim3A_81 {add = true} : memref<32784xf32, #tpu.memory_space<vmem>>[vector<16xi32>], vector<16xf32>,
        tpu.vector_store_idx %arg7[%get3A_452], %broadcast_in_dim3A_81 {add = true} : memref<32784xf32, #tpu.memory_space<vmem>>[vector<16xi32>], vector<16xf32>,
        tpu.vector_store_idx %arg7[%get3A_457], %broadcast_in_dim3A_81 {add = true} : memref<32784xf32, #tpu.memory_space<vmem>>[vector<16xi32>], vector<16xf32>,
      }
      %scan3A_369 = arith.constant 96 : i32
      %convert_element_type3A_370 = arith.extui %lt3A_305 : i1 to i32
      %cond3A_371 = arith.constant 0 : i32
      %cond3A_372 = arith.cmpi ne, %convert_element_type3A_370, %cond3A_371 : i32
      scf.if %cond3A_372 {
        %mul3A_373 = arith.constant 2 : i32
        %mul3A_374 = arith.muli %mul3A_373, %while3A_302 : i32
        %add3A_375 = arith.constant 3 : i32
        %add3A_376 = arith.addi %mul3A_374, %add3A_375 : i32
        %mul3A_377 = arith.constant 1536 : i32
        %mul3A_378 = arith.muli %add3A_376, %mul3A_377 : i32
        %add3A_379 = arith.addi %select_n3A_69, %mul3A_378 : i32
        %min3A_380 = arith.constant 262144 : i32
        %min3A_381 = arith.minsi %add3A_379, %min3A_380 : i32
        %mul3A_382 = arith.constant 16 : i32
        %mul3A_383 = arith.muli %select_n3A, %mul3A_382 : i32
        %dma_start3A_384 = tpu.memref_slice %arg2[%min3A_381, %mul3A_383] : memref<263680x128xi32, #tpu.memory_space<hbm>> -> memref<1536x16xi32, #tpu.memory_space<hbm>>
        %dma_start3A_385 = tpu.memref_slice %arg2[%min3A_381, %mul3A_383] : memref<263680x128xi32, #tpu.memory_space<hbm>> -> memref<1536x16xi32, #tpu.memory_space<hbm>>
        tpu.enqueue_dma source(%dma_start3A_385 : memref<1536x16xi32, #tpu.memory_space<hbm>>) target(%arg6 : memref<1536x16xi32, #tpu.memory_space<vmem>>) target_semaphore(%arg11 : memref<!tpu.dma_semaphore, #tpu.memory_space<semaphore_mem>>)
      } else {
      }
    }
    %while3A_171 = arith.constant 1 : i32
    scf.for %while3A_302 = %while3A_169 to %while3A_165 step %while3A_171  : i32 {
      %add3A_303 = arith.constant 1 : i32
      %add3A_304 = arith.addi %while3A_302, %add3A_303 : i32
      %lt3A_305 = arith.cmpi slt, %add3A_304, %max3A_138 : i32
      %mul3A_306 = arith.constant 2 : i32
      %mul3A_307 = arith.muli %mul3A_306, %while3A_302 : i32
      %dma_wait3A = arith.constant 0 : i32
      %dma_wait3A_308 = arith.constant 0 : i32
      %dma_wait3A_309 = tpu.memref_slice %arg2[%dma_wait3A, %dma_wait3A_308] : memref<263680x128xi32, #tpu.memory_space<hbm>> -> memref<1536x16xi32, #tpu.memory_space<hbm>>
      %dma_wait3A_310 = arith.constant 0 : i32
      %dma_wait3A_311 = arith.constant 0 : i32
      %dma_wait3A_312 = tpu.memref_slice %arg2[%dma_wait3A_310, %dma_wait3A_311] : memref<263680x128xi32, #tpu.memory_space<hbm>> -> memref<1536x16xi32, #tpu.memory_space<hbm>>
      tpu.wait_dma2 semaphore(%arg10 : memref<!tpu.dma_semaphore, #tpu.memory_space<semaphore_mem>>) src(%dma_wait3A_312 : memref<1536x16xi32, #tpu.memory_space<hbm>>) dst(%arg5 : memref<1536x16xi32, #tpu.memory_space<vmem>>)
      %mul3A_313 = arith.constant 1536 : i32
      %mul3A_314 = arith.muli %mul3A_307, %mul3A_313 : i32
      %add3A_315 = arith.addi %select_n3A_69, %mul3A_314 : i32
      %sub3A_316 = arith.subi %select_n3A_79, %add3A_315 : i32
      %jit3A_317 = arith.constant 0 : i32
      %jit3A_318 = arith.constant 1536 : i32
      %max3A_319 = arith.maxsi %jit3A_317, %sub3A_316 : i32
      %min3A_320 = arith.minsi %jit3A_318, %max3A_319 : i32
      %while3A_321 = arith.constant 0 : i32
      %while3A_322 = arith.constant 1536 : i32
      %while3A_323 = arith.subi %while3A_322, %min3A_320 : i32
      %while3A_324 = arith.addi %min3A_320, %while3A_323 : i32
      %while3A_325 = arith.constant 1 : i32
      %while3A_326 = arith.divsi %while3A_323, %while3A_325 : i32
      %while3A_327 = arith.muli %while3A_326, %while3A_325 : i32
      %while3A_328 = arith.addi %min3A_320, %while3A_327 : i32
      %while3A_329 = arith.constant 1 : i32
      scf.for %while3A_373 = %min3A_320 to %while3A_328 step %while3A_329  : i32 {
        %swap3A = arith.index_cast %while3A_373 : i32 to index
        %swap3A_374 = arith.constant 0 : index
        %swap3A_375 = tpu.vector_load %arg5[%swap3A, %swap3A_374] {strides = array<i32>} : memref<1536x16xi32, #tpu.memory_space<vmem>>, vector<16xi32>,
        tpu.vector_store %arg5[%swap3A, %swap3A_374], %add3A_84 {strides = array<i32>} : memref<1536x16xi32, #tpu.memory_space<vmem>>, vector<16xi32>,
      }
      %while3A_330 = arith.constant 1 : i32
      scf.for %while3A_373 = %while3A_328 to %while3A_324 step %while3A_330  : i32 {
        %swap3A = arith.index_cast %while3A_373 : i32 to index
        %swap3A_374 = arith.constant 0 : index
        %swap3A_375 = tpu.vector_load %arg5[%swap3A, %swap3A_374] {strides = array<i32>} : memref<1536x16xi32, #tpu.memory_space<vmem>>, vector<16xi32>,
        tpu.vector_store %arg5[%swap3A, %swap3A_374], %add3A_84 {strides = array<i32>} : memref<1536x16xi32, #tpu.memory_space<vmem>>, vector<16xi32>,
      }
      %scan3A_331 = arith.constant 0 : i32
      %scan3A_332 = arith.constant 96 : i32
      %scan3A_333 = arith.addi %scan3A_331, %scan3A_332 : i32
      %scan3A_334 = arith.constant 1 : i32
      scf.for %scan3A_373 = %scan3A_331 to %scan3A_333 step %scan3A_334  : i32 {
        %mul3A_374 = arith.constant 16 : i32
        %mul3A_375 = arith.muli %scan3A_373, %mul3A_374 : i32
        %add3A_376 = arith.constant 0 : i32
        %add3A_377 = arith.addi %add3A_376, %mul3A_375 : i32
        %add3A_378 = arith.constant 0 : i32
        %add3A_379 = arith.addi %add3A_377, %add3A_378 : i32
        %get3A_380 = arith.index_cast %add3A_379 : i32 to index
        %get3A_381 = arith.constant 0 : index
        %get3A_382 = tpu.vector_load %arg5[%get3A_380, %get3A_381] {strides = array<i32>} : memref<1536x16xi32, #tpu.memory_space<vmem>>, vector<16xi32>,
        %add3A_383 = arith.constant 1 : i32
        %add3A_384 = arith.addi %add3A_377, %add3A_383 : i32
        %get3A_385 = arith.index_cast %add3A_384 : i32 to index
        %get3A_386 = arith.constant 0 : index
        %get3A_387 = tpu.vector_load %arg5[%get3A_385, %get3A_386] {strides = array<i32>} : memref<1536x16xi32, #tpu.memory_space<vmem>>, vector<16xi32>,
        %add3A_388 = arith.constant 2 : i32
        %add3A_389 = arith.addi %add3A_377, %add3A_388 : i32
        %get3A_390 = arith.index_cast %add3A_389 : i32 to index
        %get3A_391 = arith.constant 0 : index
        %get3A_392 = tpu.vector_load %arg5[%get3A_390, %get3A_391] {strides = array<i32>} : memref<1536x16xi32, #tpu.memory_space<vmem>>, vector<16xi32>,
        %add3A_393 = arith.constant 3 : i32
        %add3A_394 = arith.addi %add3A_377, %add3A_393 : i32
        %get3A_395 = arith.index_cast %add3A_394 : i32 to index
        %get3A_396 = arith.constant 0 : index
        %get3A_397 = tpu.vector_load %arg5[%get3A_395, %get3A_396] {strides = array<i32>} : memref<1536x16xi32, #tpu.memory_space<vmem>>, vector<16xi32>,
        %add3A_398 = arith.constant 4 : i32
        %add3A_399 = arith.addi %add3A_377, %add3A_398 : i32
        %get3A_400 = arith.index_cast %add3A_399 : i32 to index
        %get3A_401 = arith.constant 0 : index
        %get3A_402 = tpu.vector_load %arg5[%get3A_400, %get3A_401] {strides = array<i32>} : memref<1536x16xi32, #tpu.memory_space<vmem>>, vector<16xi32>,
        %add3A_403 = arith.constant 5 : i32
        %add3A_404 = arith.addi %add3A_377, %add3A_403 : i32
        %get3A_405 = arith.index_cast %add3A_404 : i32 to index
        %get3A_406 = arith.constant 0 : index
        %get3A_407 = tpu.vector_load %arg5[%get3A_405, %get3A_406] {strides = array<i32>} : memref<1536x16xi32, #tpu.memory_space<vmem>>, vector<16xi32>,
        %add3A_408 = arith.constant 6 : i32
        %add3A_409 = arith.addi %add3A_377, %add3A_408 : i32
        %get3A_410 = arith.index_cast %add3A_409 : i32 to index
        %get3A_411 = arith.constant 0 : index
        %get3A_412 = tpu.vector_load %arg5[%get3A_410, %get3A_411] {strides = array<i32>} : memref<1536x16xi32, #tpu.memory_space<vmem>>, vector<16xi32>,
        %add3A_413 = arith.constant 7 : i32
        %add3A_414 = arith.addi %add3A_377, %add3A_413 : i32
        %get3A_415 = arith.index_cast %add3A_414 : i32 to index
        %get3A_416 = arith.constant 0 : index
        %get3A_417 = tpu.vector_load %arg5[%get3A_415, %get3A_416] {strides = array<i32>} : memref<1536x16xi32, #tpu.memory_space<vmem>>, vector<16xi32>,
        %add3A_418 = arith.constant 8 : i32
        %add3A_419 = arith.addi %add3A_377, %add3A_418 : i32
        %get3A_420 = arith.index_cast %add3A_419 : i32 to index
        %get3A_421 = arith.constant 0 : index
        %get3A_422 = tpu.vector_load %arg5[%get3A_420, %get3A_421] {strides = array<i32>} : memref<1536x16xi32, #tpu.memory_space<vmem>>, vector<16xi32>,
        %add3A_423 = arith.constant 9 : i32
        %add3A_424 = arith.addi %add3A_377, %add3A_423 : i32
        %get3A_425 = arith.index_cast %add3A_424 : i32 to index
        %get3A_426 = arith.constant 0 : index
        %get3A_427 = tpu.vector_load %arg5[%get3A_425, %get3A_426] {strides = array<i32>} : memref<1536x16xi32, #tpu.memory_space<vmem>>, vector<16xi32>,
        %add3A_428 = arith.constant 10 : i32
        %add3A_429 = arith.addi %add3A_377, %add3A_428 : i32
        %get3A_430 = arith.index_cast %add3A_429 : i32 to index
        %get3A_431 = arith.constant 0 : index
        %get3A_432 = tpu.vector_load %arg5[%get3A_430, %get3A_431] {strides = array<i32>} : memref<1536x16xi32, #tpu.memory_space<vmem>>, vector<16xi32>,
        %add3A_433 = arith.constant 11 : i32
        %add3A_434 = arith.addi %add3A_377, %add3A_433 : i32
        %get3A_435 = arith.index_cast %add3A_434 : i32 to index
        %get3A_436 = arith.constant 0 : index
        %get3A_437 = tpu.vector_load %arg5[%get3A_435, %get3A_436] {strides = array<i32>} : memref<1536x16xi32, #tpu.memory_space<vmem>>, vector<16xi32>,
        %add3A_438 = arith.constant 12 : i32
        %add3A_439 = arith.addi %add3A_377, %add3A_438 : i32
        %get3A_440 = arith.index_cast %add3A_439 : i32 to index
        %get3A_441 = arith.constant 0 : index
        %get3A_442 = tpu.vector_load %arg5[%get3A_440, %get3A_441] {strides = array<i32>} : memref<1536x16xi32, #tpu.memory_space<vmem>>, vector<16xi32>,
        %add3A_443 = arith.constant 13 : i32
        %add3A_444 = arith.addi %add3A_377, %add3A_443 : i32
        %get3A_445 = arith.index_cast %add3A_444 : i32 to index
        %get3A_446 = arith.constant 0 : index
        %get3A_447 = tpu.vector_load %arg5[%get3A_445, %get3A_446] {strides = array<i32>} : memref<1536x16xi32, #tpu.memory_space<vmem>>, vector<16xi32>,
        %add3A_448 = arith.constant 14 : i32
        %add3A_449 = arith.addi %add3A_377, %add3A_448 : i32
        %get3A_450 = arith.index_cast %add3A_449 : i32 to index
        %get3A_451 = arith.constant 0 : index
        %get3A_452 = tpu.vector_load %arg5[%get3A_450, %get3A_451] {strides = array<i32>} : memref<1536x16xi32, #tpu.memory_space<vmem>>, vector<16xi32>,
        %add3A_453 = arith.constant 15 : i32
        %add3A_454 = arith.addi %add3A_377, %add3A_453 : i32
        %get3A_455 = arith.index_cast %add3A_454 : i32 to index
        %get3A_456 = arith.constant 0 : index
        %get3A_457 = tpu.vector_load %arg5[%get3A_455, %get3A_456] {strides = array<i32>} : memref<1536x16xi32, #tpu.memory_space<vmem>>, vector<16xi32>,
        tpu.vector_store_idx %arg7[%get3A_382], %broadcast_in_dim3A_81 {add = true} : memref<32784xf32, #tpu.memory_space<vmem>>[vector<16xi32>], vector<16xf32>,
        tpu.vector_store_idx %arg7[%get3A_387], %broadcast_in_dim3A_81 {add = true} : memref<32784xf32, #tpu.memory_space<vmem>>[vector<16xi32>], vector<16xf32>,
        tpu.vector_store_idx %arg7[%get3A_392], %broadcast_in_dim3A_81 {add = true} : memref<32784xf32, #tpu.memory_space<vmem>>[vector<16xi32>], vector<16xf32>,
        tpu.vector_store_idx %arg7[%get3A_397], %broadcast_in_dim3A_81 {add = true} : memref<32784xf32, #tpu.memory_space<vmem>>[vector<16xi32>], vector<16xf32>,
        tpu.vector_store_idx %arg7[%get3A_402], %broadcast_in_dim3A_81 {add = true} : memref<32784xf32, #tpu.memory_space<vmem>>[vector<16xi32>], vector<16xf32>,
        tpu.vector_store_idx %arg7[%get3A_407], %broadcast_in_dim3A_81 {add = true} : memref<32784xf32, #tpu.memory_space<vmem>>[vector<16xi32>], vector<16xf32>,
        tpu.vector_store_idx %arg7[%get3A_412], %broadcast_in_dim3A_81 {add = true} : memref<32784xf32, #tpu.memory_space<vmem>>[vector<16xi32>], vector<16xf32>,
        tpu.vector_store_idx %arg7[%get3A_417], %broadcast_in_dim3A_81 {add = true} : memref<32784xf32, #tpu.memory_space<vmem>>[vector<16xi32>], vector<16xf32>,
        tpu.vector_store_idx %arg7[%get3A_422], %broadcast_in_dim3A_81 {add = true} : memref<32784xf32, #tpu.memory_space<vmem>>[vector<16xi32>], vector<16xf32>,
        tpu.vector_store_idx %arg7[%get3A_427], %broadcast_in_dim3A_81 {add = true} : memref<32784xf32, #tpu.memory_space<vmem>>[vector<16xi32>], vector<16xf32>,
        tpu.vector_store_idx %arg7[%get3A_432], %broadcast_in_dim3A_81 {add = true} : memref<32784xf32, #tpu.memory_space<vmem>>[vector<16xi32>], vector<16xf32>,
        tpu.vector_store_idx %arg7[%get3A_437], %broadcast_in_dim3A_81 {add = true} : memref<32784xf32, #tpu.memory_space<vmem>>[vector<16xi32>], vector<16xf32>,
        tpu.vector_store_idx %arg7[%get3A_442], %broadcast_in_dim3A_81 {add = true} : memref<32784xf32, #tpu.memory_space<vmem>>[vector<16xi32>], vector<16xf32>,
        tpu.vector_store_idx %arg7[%get3A_447], %broadcast_in_dim3A_81 {add = true} : memref<32784xf32, #tpu.memory_space<vmem>>[vector<16xi32>], vector<16xf32>,
        tpu.vector_store_idx %arg7[%get3A_452], %broadcast_in_dim3A_81 {add = true} : memref<32784xf32, #tpu.memory_space<vmem>>[vector<16xi32>], vector<16xf32>,
        tpu.vector_store_idx %arg7[%get3A_457], %broadcast_in_dim3A_81 {add = true} : memref<32784xf32, #tpu.memory_space<vmem>>[vector<16xi32>], vector<16xf32>,
      }
      %scan3A_335 = arith.constant 96 : i32
      %convert_element_type3A = arith.extui %lt3A_305 : i1 to i32
      %cond3A = arith.constant 0 : i32
      %cond3A_336 = arith.cmpi ne, %convert_element_type3A, %cond3A : i32
      scf.if %cond3A_336 {
        %mul3A_373 = arith.constant 2 : i32
        %mul3A_374 = arith.muli %mul3A_373, %while3A_302 : i32
        %add3A_375 = arith.constant 2 : i32
        %add3A_376 = arith.addi %mul3A_374, %add3A_375 : i32
        %mul3A_377 = arith.constant 1536 : i32
        %mul3A_378 = arith.muli %add3A_376, %mul3A_377 : i32
        %add3A_379 = arith.addi %select_n3A_69, %mul3A_378 : i32
        %min3A_380 = arith.constant 262144 : i32
        %min3A_381 = arith.minsi %add3A_379, %min3A_380 : i32
        %mul3A_382 = arith.constant 16 : i32
        %mul3A_383 = arith.muli %select_n3A, %mul3A_382 : i32
        %dma_start3A_384 = tpu.memref_slice %arg2[%min3A_381, %mul3A_383] : memref<263680x128xi32, #tpu.memory_space<hbm>> -> memref<1536x16xi32, #tpu.memory_space<hbm>>
        %dma_start3A_385 = tpu.memref_slice %arg2[%min3A_381, %mul3A_383] : memref<263680x128xi32, #tpu.memory_space<hbm>> -> memref<1536x16xi32, #tpu.memory_space<hbm>>
        tpu.enqueue_dma source(%dma_start3A_385 : memref<1536x16xi32, #tpu.memory_space<hbm>>) target(%arg5 : memref<1536x16xi32, #tpu.memory_space<vmem>>) target_semaphore(%arg10 : memref<!tpu.dma_semaphore, #tpu.memory_space<semaphore_mem>>)
      } else {
      }
      %mul3A_337 = arith.constant 2 : i32
      %mul3A_338 = arith.muli %mul3A_337, %while3A_302 : i32
      %add3A_339 = arith.constant 1 : i32
      %add3A_340 = arith.addi %mul3A_338, %add3A_339 : i32
      %dma_wait3A_341 = arith.constant 0 : i32
      %dma_wait3A_342 = arith.constant 0 : i32
      %dma_wait3A_343 = tpu.memref_slice %arg2[%dma_wait3A_341, %dma_wait3A_342] : memref<263680x128xi32, #tpu.memory_space<hbm>> -> memref<1536x16xi32, #tpu.memory_space<hbm>>
      %dma_wait3A_344 = arith.constant 0 : i32
      %dma_wait3A_345 = arith.constant 0 : i32
      %dma_wait3A_346 = tpu.memref_slice %arg2[%dma_wait3A_344, %dma_wait3A_345] : memref<263680x128xi32, #tpu.memory_space<hbm>> -> memref<1536x16xi32, #tpu.memory_space<hbm>>
      tpu.wait_dma2 semaphore(%arg11 : memref<!tpu.dma_semaphore, #tpu.memory_space<semaphore_mem>>) src(%dma_wait3A_346 : memref<1536x16xi32, #tpu.memory_space<hbm>>) dst(%arg6 : memref<1536x16xi32, #tpu.memory_space<vmem>>)
      %mul3A_347 = arith.constant 1536 : i32
      %mul3A_348 = arith.muli %add3A_340, %mul3A_347 : i32
      %add3A_349 = arith.addi %select_n3A_69, %mul3A_348 : i32
      %sub3A_350 = arith.subi %select_n3A_79, %add3A_349 : i32
      %jit3A_351 = arith.constant 0 : i32
      %jit3A_352 = arith.constant 1536 : i32
      %max3A_353 = arith.maxsi %jit3A_351, %sub3A_350 : i32
      %min3A_354 = arith.minsi %jit3A_352, %max3A_353 : i32
      %while3A_355 = arith.constant 0 : i32
      %while3A_356 = arith.constant 1536 : i32
      %while3A_357 = arith.subi %while3A_356, %min3A_354 : i32
      %while3A_358 = arith.addi %min3A_354, %while3A_357 : i32
      %while3A_359 = arith.constant 1 : i32
      %while3A_360 = arith.divsi %while3A_357, %while3A_359 : i32
      %while3A_361 = arith.muli %while3A_360, %while3A_359 : i32
      %while3A_362 = arith.addi %min3A_354, %while3A_361 : i32
      %while3A_363 = arith.constant 1 : i32
      scf.for %while3A_373 = %min3A_354 to %while3A_362 step %while3A_363  : i32 {
        %swap3A = arith.index_cast %while3A_373 : i32 to index
        %swap3A_374 = arith.constant 0 : index
        %swap3A_375 = tpu.vector_load %arg6[%swap3A, %swap3A_374] {strides = array<i32>} : memref<1536x16xi32, #tpu.memory_space<vmem>>, vector<16xi32>,
        tpu.vector_store %arg6[%swap3A, %swap3A_374], %add3A_84 {strides = array<i32>} : memref<1536x16xi32, #tpu.memory_space<vmem>>, vector<16xi32>,
      }
      %while3A_364 = arith.constant 1 : i32
      scf.for %while3A_373 = %while3A_362 to %while3A_358 step %while3A_364  : i32 {
        %swap3A = arith.index_cast %while3A_373 : i32 to index
        %swap3A_374 = arith.constant 0 : index
        %swap3A_375 = tpu.vector_load %arg6[%swap3A, %swap3A_374] {strides = array<i32>} : memref<1536x16xi32, #tpu.memory_space<vmem>>, vector<16xi32>,
        tpu.vector_store %arg6[%swap3A, %swap3A_374], %add3A_84 {strides = array<i32>} : memref<1536x16xi32, #tpu.memory_space<vmem>>, vector<16xi32>,
      }
      %scan3A_365 = arith.constant 0 : i32
      %scan3A_366 = arith.constant 96 : i32
      %scan3A_367 = arith.addi %scan3A_365, %scan3A_366 : i32
      %scan3A_368 = arith.constant 1 : i32
      scf.for %scan3A_373 = %scan3A_365 to %scan3A_367 step %scan3A_368  : i32 {
        %mul3A_374 = arith.constant 16 : i32
        %mul3A_375 = arith.muli %scan3A_373, %mul3A_374 : i32
        %add3A_376 = arith.constant 0 : i32
        %add3A_377 = arith.addi %add3A_376, %mul3A_375 : i32
        %add3A_378 = arith.constant 0 : i32
        %add3A_379 = arith.addi %add3A_377, %add3A_378 : i32
        %get3A_380 = arith.index_cast %add3A_379 : i32 to index
        %get3A_381 = arith.constant 0 : index
        %get3A_382 = tpu.vector_load %arg6[%get3A_380, %get3A_381] {strides = array<i32>} : memref<1536x16xi32, #tpu.memory_space<vmem>>, vector<16xi32>,
        %add3A_383 = arith.constant 1 : i32
        %add3A_384 = arith.addi %add3A_377, %add3A_383 : i32
        %get3A_385 = arith.index_cast %add3A_384 : i32 to index
        %get3A_386 = arith.constant 0 : index
        %get3A_387 = tpu.vector_load %arg6[%get3A_385, %get3A_386] {strides = array<i32>} : memref<1536x16xi32, #tpu.memory_space<vmem>>, vector<16xi32>,
        %add3A_388 = arith.constant 2 : i32
        %add3A_389 = arith.addi %add3A_377, %add3A_388 : i32
        %get3A_390 = arith.index_cast %add3A_389 : i32 to index
        %get3A_391 = arith.constant 0 : index
        %get3A_392 = tpu.vector_load %arg6[%get3A_390, %get3A_391] {strides = array<i32>} : memref<1536x16xi32, #tpu.memory_space<vmem>>, vector<16xi32>,
        %add3A_393 = arith.constant 3 : i32
        %add3A_394 = arith.addi %add3A_377, %add3A_393 : i32
        %get3A_395 = arith.index_cast %add3A_394 : i32 to index
        %get3A_396 = arith.constant 0 : index
        %get3A_397 = tpu.vector_load %arg6[%get3A_395, %get3A_396] {strides = array<i32>} : memref<1536x16xi32, #tpu.memory_space<vmem>>, vector<16xi32>,
        %add3A_398 = arith.constant 4 : i32
        %add3A_399 = arith.addi %add3A_377, %add3A_398 : i32
        %get3A_400 = arith.index_cast %add3A_399 : i32 to index
        %get3A_401 = arith.constant 0 : index
        %get3A_402 = tpu.vector_load %arg6[%get3A_400, %get3A_401] {strides = array<i32>} : memref<1536x16xi32, #tpu.memory_space<vmem>>, vector<16xi32>,
        %add3A_403 = arith.constant 5 : i32
        %add3A_404 = arith.addi %add3A_377, %add3A_403 : i32
        %get3A_405 = arith.index_cast %add3A_404 : i32 to index
        %get3A_406 = arith.constant 0 : index
        %get3A_407 = tpu.vector_load %arg6[%get3A_405, %get3A_406] {strides = array<i32>} : memref<1536x16xi32, #tpu.memory_space<vmem>>, vector<16xi32>,
        %add3A_408 = arith.constant 6 : i32
        %add3A_409 = arith.addi %add3A_377, %add3A_408 : i32
        %get3A_410 = arith.index_cast %add3A_409 : i32 to index
        %get3A_411 = arith.constant 0 : index
        %get3A_412 = tpu.vector_load %arg6[%get3A_410, %get3A_411] {strides = array<i32>} : memref<1536x16xi32, #tpu.memory_space<vmem>>, vector<16xi32>,
        %add3A_413 = arith.constant 7 : i32
        %add3A_414 = arith.addi %add3A_377, %add3A_413 : i32
        %get3A_415 = arith.index_cast %add3A_414 : i32 to index
        %get3A_416 = arith.constant 0 : index
        %get3A_417 = tpu.vector_load %arg6[%get3A_415, %get3A_416] {strides = array<i32>} : memref<1536x16xi32, #tpu.memory_space<vmem>>, vector<16xi32>,
        %add3A_418 = arith.constant 8 : i32
        %add3A_419 = arith.addi %add3A_377, %add3A_418 : i32
        %get3A_420 = arith.index_cast %add3A_419 : i32 to index
        %get3A_421 = arith.constant 0 : index
        %get3A_422 = tpu.vector_load %arg6[%get3A_420, %get3A_421] {strides = array<i32>} : memref<1536x16xi32, #tpu.memory_space<vmem>>, vector<16xi32>,
        %add3A_423 = arith.constant 9 : i32
        %add3A_424 = arith.addi %add3A_377, %add3A_423 : i32
        %get3A_425 = arith.index_cast %add3A_424 : i32 to index
        %get3A_426 = arith.constant 0 : index
        %get3A_427 = tpu.vector_load %arg6[%get3A_425, %get3A_426] {strides = array<i32>} : memref<1536x16xi32, #tpu.memory_space<vmem>>, vector<16xi32>,
        %add3A_428 = arith.constant 10 : i32
        %add3A_429 = arith.addi %add3A_377, %add3A_428 : i32
        %get3A_430 = arith.index_cast %add3A_429 : i32 to index
        %get3A_431 = arith.constant 0 : index
        %get3A_432 = tpu.vector_load %arg6[%get3A_430, %get3A_431] {strides = array<i32>} : memref<1536x16xi32, #tpu.memory_space<vmem>>, vector<16xi32>,
        %add3A_433 = arith.constant 11 : i32
        %add3A_434 = arith.addi %add3A_377, %add3A_433 : i32
        %get3A_435 = arith.index_cast %add3A_434 : i32 to index
        %get3A_436 = arith.constant 0 : index
        %get3A_437 = tpu.vector_load %arg6[%get3A_435, %get3A_436] {strides = array<i32>} : memref<1536x16xi32, #tpu.memory_space<vmem>>, vector<16xi32>,
        %add3A_438 = arith.constant 12 : i32
        %add3A_439 = arith.addi %add3A_377, %add3A_438 : i32
        %get3A_440 = arith.index_cast %add3A_439 : i32 to index
        %get3A_441 = arith.constant 0 : index
        %get3A_442 = tpu.vector_load %arg6[%get3A_440, %get3A_441] {strides = array<i32>} : memref<1536x16xi32, #tpu.memory_space<vmem>>, vector<16xi32>,
        %add3A_443 = arith.constant 13 : i32
        %add3A_444 = arith.addi %add3A_377, %add3A_443 : i32
        %get3A_445 = arith.index_cast %add3A_444 : i32 to index
        %get3A_446 = arith.constant 0 : index
        %get3A_447 = tpu.vector_load %arg6[%get3A_445, %get3A_446] {strides = array<i32>} : memref<1536x16xi32, #tpu.memory_space<vmem>>, vector<16xi32>,
        %add3A_448 = arith.constant 14 : i32
        %add3A_449 = arith.addi %add3A_377, %add3A_448 : i32
        %get3A_450 = arith.index_cast %add3A_449 : i32 to index
        %get3A_451 = arith.constant 0 : index
        %get3A_452 = tpu.vector_load %arg6[%get3A_450, %get3A_451] {strides = array<i32>} : memref<1536x16xi32, #tpu.memory_space<vmem>>, vector<16xi32>,
        %add3A_453 = arith.constant 15 : i32
        %add3A_454 = arith.addi %add3A_377, %add3A_453 : i32
        %get3A_455 = arith.index_cast %add3A_454 : i32 to index
        %get3A_456 = arith.constant 0 : index
        %get3A_457 = tpu.vector_load %arg6[%get3A_455, %get3A_456] {strides = array<i32>} : memref<1536x16xi32, #tpu.memory_space<vmem>>, vector<16xi32>,
        tpu.vector_store_idx %arg7[%get3A_382], %broadcast_in_dim3A_81 {add = true} : memref<32784xf32, #tpu.memory_space<vmem>>[vector<16xi32>], vector<16xf32>,
        tpu.vector_store_idx %arg7[%get3A_387], %broadcast_in_dim3A_81 {add = true} : memref<32784xf32, #tpu.memory_space<vmem>>[vector<16xi32>], vector<16xf32>,
        tpu.vector_store_idx %arg7[%get3A_392], %broadcast_in_dim3A_81 {add = true} : memref<32784xf32, #tpu.memory_space<vmem>>[vector<16xi32>], vector<16xf32>,
        tpu.vector_store_idx %arg7[%get3A_397], %broadcast_in_dim3A_81 {add = true} : memref<32784xf32, #tpu.memory_space<vmem>>[vector<16xi32>], vector<16xf32>,
        tpu.vector_store_idx %arg7[%get3A_402], %broadcast_in_dim3A_81 {add = true} : memref<32784xf32, #tpu.memory_space<vmem>>[vector<16xi32>], vector<16xf32>,
        tpu.vector_store_idx %arg7[%get3A_407], %broadcast_in_dim3A_81 {add = true} : memref<32784xf32, #tpu.memory_space<vmem>>[vector<16xi32>], vector<16xf32>,
        tpu.vector_store_idx %arg7[%get3A_412], %broadcast_in_dim3A_81 {add = true} : memref<32784xf32, #tpu.memory_space<vmem>>[vector<16xi32>], vector<16xf32>,
        tpu.vector_store_idx %arg7[%get3A_417], %broadcast_in_dim3A_81 {add = true} : memref<32784xf32, #tpu.memory_space<vmem>>[vector<16xi32>], vector<16xf32>,
        tpu.vector_store_idx %arg7[%get3A_422], %broadcast_in_dim3A_81 {add = true} : memref<32784xf32, #tpu.memory_space<vmem>>[vector<16xi32>], vector<16xf32>,
        tpu.vector_store_idx %arg7[%get3A_427], %broadcast_in_dim3A_81 {add = true} : memref<32784xf32, #tpu.memory_space<vmem>>[vector<16xi32>], vector<16xf32>,
        tpu.vector_store_idx %arg7[%get3A_432], %broadcast_in_dim3A_81 {add = true} : memref<32784xf32, #tpu.memory_space<vmem>>[vector<16xi32>], vector<16xf32>,
        tpu.vector_store_idx %arg7[%get3A_437], %broadcast_in_dim3A_81 {add = true} : memref<32784xf32, #tpu.memory_space<vmem>>[vector<16xi32>], vector<16xf32>,
        tpu.vector_store_idx %arg7[%get3A_442], %broadcast_in_dim3A_81 {add = true} : memref<32784xf32, #tpu.memory_space<vmem>>[vector<16xi32>], vector<16xf32>,
        tpu.vector_store_idx %arg7[%get3A_447], %broadcast_in_dim3A_81 {add = true} : memref<32784xf32, #tpu.memory_space<vmem>>[vector<16xi32>], vector<16xf32>,
        tpu.vector_store_idx %arg7[%get3A_452], %broadcast_in_dim3A_81 {add = true} : memref<32784xf32, #tpu.memory_space<vmem>>[vector<16xi32>], vector<16xf32>,
        tpu.vector_store_idx %arg7[%get3A_457], %broadcast_in_dim3A_81 {add = true} : memref<32784xf32, #tpu.memory_space<vmem>>[vector<16xi32>], vector<16xf32>,
      }
      %scan3A_369 = arith.constant 96 : i32
      %convert_element_type3A_370 = arith.extui %lt3A_305 : i1 to i32
      %cond3A_371 = arith.constant 0 : i32
      %cond3A_372 = arith.cmpi ne, %convert_element_type3A_370, %cond3A_371 : i32
      scf.if %cond3A_372 {
        %mul3A_373 = arith.constant 2 : i32
        %mul3A_374 = arith.muli %mul3A_373, %while3A_302 : i32
        %add3A_375 = arith.constant 3 : i32
        %add3A_376 = arith.addi %mul3A_374, %add3A_375 : i32
        %mul3A_377 = arith.constant 1536 : i32
        %mul3A_378 = arith.muli %add3A_376, %mul3A_377 : i32
        %add3A_379 = arith.addi %select_n3A_69, %mul3A_378 : i32
        %min3A_380 = arith.constant 262144 : i32
        %min3A_381 = arith.minsi %add3A_379, %min3A_380 : i32
        %mul3A_382 = arith.constant 16 : i32
        %mul3A_383 = arith.muli %select_n3A, %mul3A_382 : i32
        %dma_start3A_384 = tpu.memref_slice %arg2[%min3A_381, %mul3A_383] : memref<263680x128xi32, #tpu.memory_space<hbm>> -> memref<1536x16xi32, #tpu.memory_space<hbm>>
        %dma_start3A_385 = tpu.memref_slice %arg2[%min3A_381, %mul3A_383] : memref<263680x128xi32, #tpu.memory_space<hbm>> -> memref<1536x16xi32, #tpu.memory_space<hbm>>
        tpu.enqueue_dma source(%dma_start3A_385 : memref<1536x16xi32, #tpu.memory_space<hbm>>) target(%arg6 : memref<1536x16xi32, #tpu.memory_space<vmem>>) target_semaphore(%arg11 : memref<!tpu.dma_semaphore, #tpu.memory_space<semaphore_mem>>)
      } else {
      }
    }
    %broadcast_in_dim3A_172 = arith.constant 0.000000e+00 : f32
    %broadcast_in_dim3A_173 = vector.broadcast %broadcast_in_dim3A_172 : f32 to vector<16xf32>
    %scan3A_174 = arith.constant 0 : i32
    %scan3A_175 = arith.constant 128 : i32
    %scan3A_176 = arith.addi %scan3A_174, %scan3A_175 : i32
    %scan3A_177 = arith.constant 1 : i32
    %scan3A_178 = scf.for %scan3A_302 = %scan3A_174 to %scan3A_176 step %scan3A_177 iter_args(%scan3A_303 = %broadcast_in_dim3A_173) -> (vector<16xf32>)  : i32 {
      %add3A_304 = arith.constant 0 : i32
      %add3A_305 = arith.addi %add3A_304, %scan3A_302 : i32
      %mul3A_306 = arith.constant 16 : i32
      %mul3A_307 = arith.muli %add3A_305, %mul3A_306 : i32
      %get3A_308 = arith.index_cast %mul3A_307 : i32 to index
      %get3A_309 = tpu.vector_load %arg7[%get3A_308] {strides = array<i32>} : memref<32784xf32, #tpu.memory_space<vmem>>, vector<16xf32>,
      %add3A_310 = arith.addf %scan3A_303, %get3A_309 : vector<16xf32>
      %add3A_311 = arith.constant 0 : i32
      %add3A_312 = arith.addi %add3A_311, %scan3A_302 : i32
      %swap3A = arith.index_cast %add3A_312 : i32 to index
      %swap3A_313 = arith.constant 0 : index
      %swap3A_314 = tpu.vector_load %arg8[%swap3A, %swap3A_313] {strides = array<i32>} : memref<2048x16xf32, #tpu.memory_space<vmem>>, vector<16xf32>,
      tpu.vector_store %arg8[%swap3A, %swap3A_313], %add3A_310 {strides = array<i32>} : memref<2048x16xf32, #tpu.memory_space<vmem>>, vector<16xf32>,
      scf.yield %add3A_310 : vector<16xf32>
    }
    %scan3A_179 = arith.constant 128 : i32
    %broadcast_in_dim3A_180 = arith.constant 0.000000e+00 : f32
    %broadcast_in_dim3A_181 = vector.broadcast %broadcast_in_dim3A_180 : f32 to vector<16xf32>
    %scan3A_182 = arith.constant 0 : i32
    %scan3A_183 = arith.constant 128 : i32
    %scan3A_184 = arith.addi %scan3A_182, %scan3A_183 : i32
    %scan3A_185 = arith.constant 1 : i32
    %scan3A_186 = scf.for %scan3A_302 = %scan3A_182 to %scan3A_184 step %scan3A_185 iter_args(%scan3A_303 = %broadcast_in_dim3A_181) -> (vector<16xf32>)  : i32 {
      %add3A_304 = arith.constant 128 : i32
      %add3A_305 = arith.addi %add3A_304, %scan3A_302 : i32
      %mul3A_306 = arith.constant 16 : i32
      %mul3A_307 = arith.muli %add3A_305, %mul3A_306 : i32
      %get3A_308 = arith.index_cast %mul3A_307 : i32 to index
      %get3A_309 = tpu.vector_load %arg7[%get3A_308] {strides = array<i32>} : memref<32784xf32, #tpu.memory_space<vmem>>, vector<16xf32>,
      %add3A_310 = arith.addf %scan3A_303, %get3A_309 : vector<16xf32>
      %add3A_311 = arith.constant 128 : i32
      %add3A_312 = arith.addi %add3A_311, %scan3A_302 : i32
      %swap3A = arith.index_cast %add3A_312 : i32 to index
      %swap3A_313 = arith.constant 0 : index
      %swap3A_314 = tpu.vector_load %arg8[%swap3A, %swap3A_313] {strides = array<i32>} : memref<2048x16xf32, #tpu.memory_space<vmem>>, vector<16xf32>,
      tpu.vector_store %arg8[%swap3A, %swap3A_313], %add3A_310 {strides = array<i32>} : memref<2048x16xf32, #tpu.memory_space<vmem>>, vector<16xf32>,
      scf.yield %add3A_310 : vector<16xf32>
    }
    %scan3A_187 = arith.constant 128 : i32
    %broadcast_in_dim3A_188 = arith.constant 0.000000e+00 : f32
    %broadcast_in_dim3A_189 = vector.broadcast %broadcast_in_dim3A_188 : f32 to vector<16xf32>
    %scan3A_190 = arith.constant 0 : i32
    %scan3A_191 = arith.constant 128 : i32
    %scan3A_192 = arith.addi %scan3A_190, %scan3A_191 : i32
    %scan3A_193 = arith.constant 1 : i32
    %scan3A_194 = scf.for %scan3A_302 = %scan3A_190 to %scan3A_192 step %scan3A_193 iter_args(%scan3A_303 = %broadcast_in_dim3A_189) -> (vector<16xf32>)  : i32 {
      %add3A_304 = arith.constant 256 : i32
      %add3A_305 = arith.addi %add3A_304, %scan3A_302 : i32
      %mul3A_306 = arith.constant 16 : i32
      %mul3A_307 = arith.muli %add3A_305, %mul3A_306 : i32
      %get3A_308 = arith.index_cast %mul3A_307 : i32 to index
      %get3A_309 = tpu.vector_load %arg7[%get3A_308] {strides = array<i32>} : memref<32784xf32, #tpu.memory_space<vmem>>, vector<16xf32>,
      %add3A_310 = arith.addf %scan3A_303, %get3A_309 : vector<16xf32>
      %add3A_311 = arith.constant 256 : i32
      %add3A_312 = arith.addi %add3A_311, %scan3A_302 : i32
      %swap3A = arith.index_cast %add3A_312 : i32 to index
      %swap3A_313 = arith.constant 0 : index
      %swap3A_314 = tpu.vector_load %arg8[%swap3A, %swap3A_313] {strides = array<i32>} : memref<2048x16xf32, #tpu.memory_space<vmem>>, vector<16xf32>,
      tpu.vector_store %arg8[%swap3A, %swap3A_313], %add3A_310 {strides = array<i32>} : memref<2048x16xf32, #tpu.memory_space<vmem>>, vector<16xf32>,
      scf.yield %add3A_310 : vector<16xf32>
    }
    %scan3A_195 = arith.constant 128 : i32
    %broadcast_in_dim3A_196 = arith.constant 0.000000e+00 : f32
    %broadcast_in_dim3A_197 = vector.broadcast %broadcast_in_dim3A_196 : f32 to vector<16xf32>
    %scan3A_198 = arith.constant 0 : i32
    %scan3A_199 = arith.constant 128 : i32
    %scan3A_200 = arith.addi %scan3A_198, %scan3A_199 : i32
    %scan3A_201 = arith.constant 1 : i32
    %scan3A_202 = scf.for %scan3A_302 = %scan3A_198 to %scan3A_200 step %scan3A_201 iter_args(%scan3A_303 = %broadcast_in_dim3A_197) -> (vector<16xf32>)  : i32 {
      %add3A_304 = arith.constant 384 : i32
      %add3A_305 = arith.addi %add3A_304, %scan3A_302 : i32
      %mul3A_306 = arith.constant 16 : i32
      %mul3A_307 = arith.muli %add3A_305, %mul3A_306 : i32
      %get3A_308 = arith.index_cast %mul3A_307 : i32 to index
      %get3A_309 = tpu.vector_load %arg7[%get3A_308] {strides = array<i32>} : memref<32784xf32, #tpu.memory_space<vmem>>, vector<16xf32>,
      %add3A_310 = arith.addf %scan3A_303, %get3A_309 : vector<16xf32>
      %add3A_311 = arith.constant 384 : i32
      %add3A_312 = arith.addi %add3A_311, %scan3A_302 : i32
      %swap3A = arith.index_cast %add3A_312 : i32 to index
      %swap3A_313 = arith.constant 0 : index
      %swap3A_314 = tpu.vector_load %arg8[%swap3A, %swap3A_313] {strides = array<i32>} : memref<2048x16xf32, #tpu.memory_space<vmem>>, vector<16xf32>,
      tpu.vector_store %arg8[%swap3A, %swap3A_313], %add3A_310 {strides = array<i32>} : memref<2048x16xf32, #tpu.memory_space<vmem>>, vector<16xf32>,
      scf.yield %add3A_310 : vector<16xf32>
    }
    %scan3A_203 = arith.constant 128 : i32
    %broadcast_in_dim3A_204 = arith.constant 0.000000e+00 : f32
    %broadcast_in_dim3A_205 = vector.broadcast %broadcast_in_dim3A_204 : f32 to vector<16xf32>
    %scan3A_206 = arith.constant 0 : i32
    %scan3A_207 = arith.constant 128 : i32
    %scan3A_208 = arith.addi %scan3A_206, %scan3A_207 : i32
    %scan3A_209 = arith.constant 1 : i32
    %scan3A_210 = scf.for %scan3A_302 = %scan3A_206 to %scan3A_208 step %scan3A_209 iter_args(%scan3A_303 = %broadcast_in_dim3A_205) -> (vector<16xf32>)  : i32 {
      %add3A_304 = arith.constant 512 : i32
      %add3A_305 = arith.addi %add3A_304, %scan3A_302 : i32
      %mul3A_306 = arith.constant 16 : i32
      %mul3A_307 = arith.muli %add3A_305, %mul3A_306 : i32
      %get3A_308 = arith.index_cast %mul3A_307 : i32 to index
      %get3A_309 = tpu.vector_load %arg7[%get3A_308] {strides = array<i32>} : memref<32784xf32, #tpu.memory_space<vmem>>, vector<16xf32>,
      %add3A_310 = arith.addf %scan3A_303, %get3A_309 : vector<16xf32>
      %add3A_311 = arith.constant 512 : i32
      %add3A_312 = arith.addi %add3A_311, %scan3A_302 : i32
      %swap3A = arith.index_cast %add3A_312 : i32 to index
      %swap3A_313 = arith.constant 0 : index
      %swap3A_314 = tpu.vector_load %arg8[%swap3A, %swap3A_313] {strides = array<i32>} : memref<2048x16xf32, #tpu.memory_space<vmem>>, vector<16xf32>,
      tpu.vector_store %arg8[%swap3A, %swap3A_313], %add3A_310 {strides = array<i32>} : memref<2048x16xf32, #tpu.memory_space<vmem>>, vector<16xf32>,
      scf.yield %add3A_310 : vector<16xf32>
    }
    %scan3A_211 = arith.constant 128 : i32
    %broadcast_in_dim3A_212 = arith.constant 0.000000e+00 : f32
    %broadcast_in_dim3A_213 = vector.broadcast %broadcast_in_dim3A_212 : f32 to vector<16xf32>
    %scan3A_214 = arith.constant 0 : i32
    %scan3A_215 = arith.constant 128 : i32
    %scan3A_216 = arith.addi %scan3A_214, %scan3A_215 : i32
    %scan3A_217 = arith.constant 1 : i32
    %scan3A_218 = scf.for %scan3A_302 = %scan3A_214 to %scan3A_216 step %scan3A_217 iter_args(%scan3A_303 = %broadcast_in_dim3A_213) -> (vector<16xf32>)  : i32 {
      %add3A_304 = arith.constant 640 : i32
      %add3A_305 = arith.addi %add3A_304, %scan3A_302 : i32
      %mul3A_306 = arith.constant 16 : i32
      %mul3A_307 = arith.muli %add3A_305, %mul3A_306 : i32
      %get3A_308 = arith.index_cast %mul3A_307 : i32 to index
      %get3A_309 = tpu.vector_load %arg7[%get3A_308] {strides = array<i32>} : memref<32784xf32, #tpu.memory_space<vmem>>, vector<16xf32>,
      %add3A_310 = arith.addf %scan3A_303, %get3A_309 : vector<16xf32>
      %add3A_311 = arith.constant 640 : i32
      %add3A_312 = arith.addi %add3A_311, %scan3A_302 : i32
      %swap3A = arith.index_cast %add3A_312 : i32 to index
      %swap3A_313 = arith.constant 0 : index
      %swap3A_314 = tpu.vector_load %arg8[%swap3A, %swap3A_313] {strides = array<i32>} : memref<2048x16xf32, #tpu.memory_space<vmem>>, vector<16xf32>,
      tpu.vector_store %arg8[%swap3A, %swap3A_313], %add3A_310 {strides = array<i32>} : memref<2048x16xf32, #tpu.memory_space<vmem>>, vector<16xf32>,
      scf.yield %add3A_310 : vector<16xf32>
    }
    %scan3A_219 = arith.constant 128 : i32
    %broadcast_in_dim3A_220 = arith.constant 0.000000e+00 : f32
    %broadcast_in_dim3A_221 = vector.broadcast %broadcast_in_dim3A_220 : f32 to vector<16xf32>
    %scan3A_222 = arith.constant 0 : i32
    %scan3A_223 = arith.constant 128 : i32
    %scan3A_224 = arith.addi %scan3A_222, %scan3A_223 : i32
    %scan3A_225 = arith.constant 1 : i32
    %scan3A_226 = scf.for %scan3A_302 = %scan3A_222 to %scan3A_224 step %scan3A_225 iter_args(%scan3A_303 = %broadcast_in_dim3A_221) -> (vector<16xf32>)  : i32 {
      %add3A_304 = arith.constant 768 : i32
      %add3A_305 = arith.addi %add3A_304, %scan3A_302 : i32
      %mul3A_306 = arith.constant 16 : i32
      %mul3A_307 = arith.muli %add3A_305, %mul3A_306 : i32
      %get3A_308 = arith.index_cast %mul3A_307 : i32 to index
      %get3A_309 = tpu.vector_load %arg7[%get3A_308] {strides = array<i32>} : memref<32784xf32, #tpu.memory_space<vmem>>, vector<16xf32>,
      %add3A_310 = arith.addf %scan3A_303, %get3A_309 : vector<16xf32>
      %add3A_311 = arith.constant 768 : i32
      %add3A_312 = arith.addi %add3A_311, %scan3A_302 : i32
      %swap3A = arith.index_cast %add3A_312 : i32 to index
      %swap3A_313 = arith.constant 0 : index
      %swap3A_314 = tpu.vector_load %arg8[%swap3A, %swap3A_313] {strides = array<i32>} : memref<2048x16xf32, #tpu.memory_space<vmem>>, vector<16xf32>,
      tpu.vector_store %arg8[%swap3A, %swap3A_313], %add3A_310 {strides = array<i32>} : memref<2048x16xf32, #tpu.memory_space<vmem>>, vector<16xf32>,
      scf.yield %add3A_310 : vector<16xf32>
    }
    %scan3A_227 = arith.constant 128 : i32
    %broadcast_in_dim3A_228 = arith.constant 0.000000e+00 : f32
    %broadcast_in_dim3A_229 = vector.broadcast %broadcast_in_dim3A_228 : f32 to vector<16xf32>
    %scan3A_230 = arith.constant 0 : i32
    %scan3A_231 = arith.constant 128 : i32
    %scan3A_232 = arith.addi %scan3A_230, %scan3A_231 : i32
    %scan3A_233 = arith.constant 1 : i32
    %scan3A_234 = scf.for %scan3A_302 = %scan3A_230 to %scan3A_232 step %scan3A_233 iter_args(%scan3A_303 = %broadcast_in_dim3A_229) -> (vector<16xf32>)  : i32 {
      %add3A_304 = arith.constant 896 : i32
      %add3A_305 = arith.addi %add3A_304, %scan3A_302 : i32
      %mul3A_306 = arith.constant 16 : i32
      %mul3A_307 = arith.muli %add3A_305, %mul3A_306 : i32
      %get3A_308 = arith.index_cast %mul3A_307 : i32 to index
      %get3A_309 = tpu.vector_load %arg7[%get3A_308] {strides = array<i32>} : memref<32784xf32, #tpu.memory_space<vmem>>, vector<16xf32>,
      %add3A_310 = arith.addf %scan3A_303, %get3A_309 : vector<16xf32>
      %add3A_311 = arith.constant 896 : i32
      %add3A_312 = arith.addi %add3A_311, %scan3A_302 : i32
      %swap3A = arith.index_cast %add3A_312 : i32 to index
      %swap3A_313 = arith.constant 0 : index
      %swap3A_314 = tpu.vector_load %arg8[%swap3A, %swap3A_313] {strides = array<i32>} : memref<2048x16xf32, #tpu.memory_space<vmem>>, vector<16xf32>,
      tpu.vector_store %arg8[%swap3A, %swap3A_313], %add3A_310 {strides = array<i32>} : memref<2048x16xf32, #tpu.memory_space<vmem>>, vector<16xf32>,
      scf.yield %add3A_310 : vector<16xf32>
    }
    %scan3A_235 = arith.constant 128 : i32
    %broadcast_in_dim3A_236 = arith.constant 0.000000e+00 : f32
    %broadcast_in_dim3A_237 = vector.broadcast %broadcast_in_dim3A_236 : f32 to vector<16xf32>
    %scan3A_238 = arith.constant 0 : i32
    %scan3A_239 = arith.constant 128 : i32
    %scan3A_240 = arith.addi %scan3A_238, %scan3A_239 : i32
    %scan3A_241 = arith.constant 1 : i32
    %scan3A_242 = scf.for %scan3A_302 = %scan3A_238 to %scan3A_240 step %scan3A_241 iter_args(%scan3A_303 = %broadcast_in_dim3A_237) -> (vector<16xf32>)  : i32 {
      %add3A_304 = arith.constant 1024 : i32
      %add3A_305 = arith.addi %add3A_304, %scan3A_302 : i32
      %mul3A_306 = arith.constant 16 : i32
      %mul3A_307 = arith.muli %add3A_305, %mul3A_306 : i32
      %get3A_308 = arith.index_cast %mul3A_307 : i32 to index
      %get3A_309 = tpu.vector_load %arg7[%get3A_308] {strides = array<i32>} : memref<32784xf32, #tpu.memory_space<vmem>>, vector<16xf32>,
      %add3A_310 = arith.addf %scan3A_303, %get3A_309 : vector<16xf32>
      %add3A_311 = arith.constant 1024 : i32
      %add3A_312 = arith.addi %add3A_311, %scan3A_302 : i32
      %swap3A = arith.index_cast %add3A_312 : i32 to index
      %swap3A_313 = arith.constant 0 : index
      %swap3A_314 = tpu.vector_load %arg8[%swap3A, %swap3A_313] {strides = array<i32>} : memref<2048x16xf32, #tpu.memory_space<vmem>>, vector<16xf32>,
      tpu.vector_store %arg8[%swap3A, %swap3A_313], %add3A_310 {strides = array<i32>} : memref<2048x16xf32, #tpu.memory_space<vmem>>, vector<16xf32>,
      scf.yield %add3A_310 : vector<16xf32>
    }
    %scan3A_243 = arith.constant 128 : i32
    %broadcast_in_dim3A_244 = arith.constant 0.000000e+00 : f32
    %broadcast_in_dim3A_245 = vector.broadcast %broadcast_in_dim3A_244 : f32 to vector<16xf32>
    %scan3A_246 = arith.constant 0 : i32
    %scan3A_247 = arith.constant 128 : i32
    %scan3A_248 = arith.addi %scan3A_246, %scan3A_247 : i32
    %scan3A_249 = arith.constant 1 : i32
    %scan3A_250 = scf.for %scan3A_302 = %scan3A_246 to %scan3A_248 step %scan3A_249 iter_args(%scan3A_303 = %broadcast_in_dim3A_245) -> (vector<16xf32>)  : i32 {
      %add3A_304 = arith.constant 1152 : i32
      %add3A_305 = arith.addi %add3A_304, %scan3A_302 : i32
      %mul3A_306 = arith.constant 16 : i32
      %mul3A_307 = arith.muli %add3A_305, %mul3A_306 : i32
      %get3A_308 = arith.index_cast %mul3A_307 : i32 to index
      %get3A_309 = tpu.vector_load %arg7[%get3A_308] {strides = array<i32>} : memref<32784xf32, #tpu.memory_space<vmem>>, vector<16xf32>,
      %add3A_310 = arith.addf %scan3A_303, %get3A_309 : vector<16xf32>
      %add3A_311 = arith.constant 1152 : i32
      %add3A_312 = arith.addi %add3A_311, %scan3A_302 : i32
      %swap3A = arith.index_cast %add3A_312 : i32 to index
      %swap3A_313 = arith.constant 0 : index
      %swap3A_314 = tpu.vector_load %arg8[%swap3A, %swap3A_313] {strides = array<i32>} : memref<2048x16xf32, #tpu.memory_space<vmem>>, vector<16xf32>,
      tpu.vector_store %arg8[%swap3A, %swap3A_313], %add3A_310 {strides = array<i32>} : memref<2048x16xf32, #tpu.memory_space<vmem>>, vector<16xf32>,
      scf.yield %add3A_310 : vector<16xf32>
    }
    %scan3A_251 = arith.constant 128 : i32
    %broadcast_in_dim3A_252 = arith.constant 0.000000e+00 : f32
    %broadcast_in_dim3A_253 = vector.broadcast %broadcast_in_dim3A_252 : f32 to vector<16xf32>
    %scan3A_254 = arith.constant 0 : i32
    %scan3A_255 = arith.constant 128 : i32
    %scan3A_256 = arith.addi %scan3A_254, %scan3A_255 : i32
    %scan3A_257 = arith.constant 1 : i32
    %scan3A_258 = scf.for %scan3A_302 = %scan3A_254 to %scan3A_256 step %scan3A_257 iter_args(%scan3A_303 = %broadcast_in_dim3A_253) -> (vector<16xf32>)  : i32 {
      %add3A_304 = arith.constant 1280 : i32
      %add3A_305 = arith.addi %add3A_304, %scan3A_302 : i32
      %mul3A_306 = arith.constant 16 : i32
      %mul3A_307 = arith.muli %add3A_305, %mul3A_306 : i32
      %get3A_308 = arith.index_cast %mul3A_307 : i32 to index
      %get3A_309 = tpu.vector_load %arg7[%get3A_308] {strides = array<i32>} : memref<32784xf32, #tpu.memory_space<vmem>>, vector<16xf32>,
      %add3A_310 = arith.addf %scan3A_303, %get3A_309 : vector<16xf32>
      %add3A_311 = arith.constant 1280 : i32
      %add3A_312 = arith.addi %add3A_311, %scan3A_302 : i32
      %swap3A = arith.index_cast %add3A_312 : i32 to index
      %swap3A_313 = arith.constant 0 : index
      %swap3A_314 = tpu.vector_load %arg8[%swap3A, %swap3A_313] {strides = array<i32>} : memref<2048x16xf32, #tpu.memory_space<vmem>>, vector<16xf32>,
      tpu.vector_store %arg8[%swap3A, %swap3A_313], %add3A_310 {strides = array<i32>} : memref<2048x16xf32, #tpu.memory_space<vmem>>, vector<16xf32>,
      scf.yield %add3A_310 : vector<16xf32>
    }
    %scan3A_259 = arith.constant 128 : i32
    %broadcast_in_dim3A_260 = arith.constant 0.000000e+00 : f32
    %broadcast_in_dim3A_261 = vector.broadcast %broadcast_in_dim3A_260 : f32 to vector<16xf32>
    %scan3A_262 = arith.constant 0 : i32
    %scan3A_263 = arith.constant 128 : i32
    %scan3A_264 = arith.addi %scan3A_262, %scan3A_263 : i32
    %scan3A_265 = arith.constant 1 : i32
    %scan3A_266 = scf.for %scan3A_302 = %scan3A_262 to %scan3A_264 step %scan3A_265 iter_args(%scan3A_303 = %broadcast_in_dim3A_261) -> (vector<16xf32>)  : i32 {
      %add3A_304 = arith.constant 1408 : i32
      %add3A_305 = arith.addi %add3A_304, %scan3A_302 : i32
      %mul3A_306 = arith.constant 16 : i32
      %mul3A_307 = arith.muli %add3A_305, %mul3A_306 : i32
      %get3A_308 = arith.index_cast %mul3A_307 : i32 to index
      %get3A_309 = tpu.vector_load %arg7[%get3A_308] {strides = array<i32>} : memref<32784xf32, #tpu.memory_space<vmem>>, vector<16xf32>,
      %add3A_310 = arith.addf %scan3A_303, %get3A_309 : vector<16xf32>
      %add3A_311 = arith.constant 1408 : i32
      %add3A_312 = arith.addi %add3A_311, %scan3A_302 : i32
      %swap3A = arith.index_cast %add3A_312 : i32 to index
      %swap3A_313 = arith.constant 0 : index
      %swap3A_314 = tpu.vector_load %arg8[%swap3A, %swap3A_313] {strides = array<i32>} : memref<2048x16xf32, #tpu.memory_space<vmem>>, vector<16xf32>,
      tpu.vector_store %arg8[%swap3A, %swap3A_313], %add3A_310 {strides = array<i32>} : memref<2048x16xf32, #tpu.memory_space<vmem>>, vector<16xf32>,
      scf.yield %add3A_310 : vector<16xf32>
    }
    %scan3A_267 = arith.constant 128 : i32
    %broadcast_in_dim3A_268 = arith.constant 0.000000e+00 : f32
    %broadcast_in_dim3A_269 = vector.broadcast %broadcast_in_dim3A_268 : f32 to vector<16xf32>
    %scan3A_270 = arith.constant 0 : i32
    %scan3A_271 = arith.constant 128 : i32
    %scan3A_272 = arith.addi %scan3A_270, %scan3A_271 : i32
    %scan3A_273 = arith.constant 1 : i32
    %scan3A_274 = scf.for %scan3A_302 = %scan3A_270 to %scan3A_272 step %scan3A_273 iter_args(%scan3A_303 = %broadcast_in_dim3A_269) -> (vector<16xf32>)  : i32 {
      %add3A_304 = arith.constant 1536 : i32
      %add3A_305 = arith.addi %add3A_304, %scan3A_302 : i32
      %mul3A_306 = arith.constant 16 : i32
      %mul3A_307 = arith.muli %add3A_305, %mul3A_306 : i32
      %get3A_308 = arith.index_cast %mul3A_307 : i32 to index
      %get3A_309 = tpu.vector_load %arg7[%get3A_308] {strides = array<i32>} : memref<32784xf32, #tpu.memory_space<vmem>>, vector<16xf32>,
      %add3A_310 = arith.addf %scan3A_303, %get3A_309 : vector<16xf32>
      %add3A_311 = arith.constant 1536 : i32
      %add3A_312 = arith.addi %add3A_311, %scan3A_302 : i32
      %swap3A = arith.index_cast %add3A_312 : i32 to index
      %swap3A_313 = arith.constant 0 : index
      %swap3A_314 = tpu.vector_load %arg8[%swap3A, %swap3A_313] {strides = array<i32>} : memref<2048x16xf32, #tpu.memory_space<vmem>>, vector<16xf32>,
      tpu.vector_store %arg8[%swap3A, %swap3A_313], %add3A_310 {strides = array<i32>} : memref<2048x16xf32, #tpu.memory_space<vmem>>, vector<16xf32>,
      scf.yield %add3A_310 : vector<16xf32>
    }
    %scan3A_275 = arith.constant 128 : i32
    %broadcast_in_dim3A_276 = arith.constant 0.000000e+00 : f32
    %broadcast_in_dim3A_277 = vector.broadcast %broadcast_in_dim3A_276 : f32 to vector<16xf32>
    %scan3A_278 = arith.constant 0 : i32
    %scan3A_279 = arith.constant 128 : i32
    %scan3A_280 = arith.addi %scan3A_278, %scan3A_279 : i32
    %scan3A_281 = arith.constant 1 : i32
    %scan3A_282 = scf.for %scan3A_302 = %scan3A_278 to %scan3A_280 step %scan3A_281 iter_args(%scan3A_303 = %broadcast_in_dim3A_277) -> (vector<16xf32>)  : i32 {
      %add3A_304 = arith.constant 1664 : i32
      %add3A_305 = arith.addi %add3A_304, %scan3A_302 : i32
      %mul3A_306 = arith.constant 16 : i32
      %mul3A_307 = arith.muli %add3A_305, %mul3A_306 : i32
      %get3A_308 = arith.index_cast %mul3A_307 : i32 to index
      %get3A_309 = tpu.vector_load %arg7[%get3A_308] {strides = array<i32>} : memref<32784xf32, #tpu.memory_space<vmem>>, vector<16xf32>,
      %add3A_310 = arith.addf %scan3A_303, %get3A_309 : vector<16xf32>
      %add3A_311 = arith.constant 1664 : i32
      %add3A_312 = arith.addi %add3A_311, %scan3A_302 : i32
      %swap3A = arith.index_cast %add3A_312 : i32 to index
      %swap3A_313 = arith.constant 0 : index
      %swap3A_314 = tpu.vector_load %arg8[%swap3A, %swap3A_313] {strides = array<i32>} : memref<2048x16xf32, #tpu.memory_space<vmem>>, vector<16xf32>,
      tpu.vector_store %arg8[%swap3A, %swap3A_313], %add3A_310 {strides = array<i32>} : memref<2048x16xf32, #tpu.memory_space<vmem>>, vector<16xf32>,
      scf.yield %add3A_310 : vector<16xf32>
    }
    %scan3A_283 = arith.constant 128 : i32
    %broadcast_in_dim3A_284 = arith.constant 0.000000e+00 : f32
    %broadcast_in_dim3A_285 = vector.broadcast %broadcast_in_dim3A_284 : f32 to vector<16xf32>
    %scan3A_286 = arith.constant 0 : i32
    %scan3A_287 = arith.constant 128 : i32
    %scan3A_288 = arith.addi %scan3A_286, %scan3A_287 : i32
    %scan3A_289 = arith.constant 1 : i32
    %scan3A_290 = scf.for %scan3A_302 = %scan3A_286 to %scan3A_288 step %scan3A_289 iter_args(%scan3A_303 = %broadcast_in_dim3A_285) -> (vector<16xf32>)  : i32 {
      %add3A_304 = arith.constant 1792 : i32
      %add3A_305 = arith.addi %add3A_304, %scan3A_302 : i32
      %mul3A_306 = arith.constant 16 : i32
      %mul3A_307 = arith.muli %add3A_305, %mul3A_306 : i32
      %get3A_308 = arith.index_cast %mul3A_307 : i32 to index
      %get3A_309 = tpu.vector_load %arg7[%get3A_308] {strides = array<i32>} : memref<32784xf32, #tpu.memory_space<vmem>>, vector<16xf32>,
      %add3A_310 = arith.addf %scan3A_303, %get3A_309 : vector<16xf32>
      %add3A_311 = arith.constant 1792 : i32
      %add3A_312 = arith.addi %add3A_311, %scan3A_302 : i32
      %swap3A = arith.index_cast %add3A_312 : i32 to index
      %swap3A_313 = arith.constant 0 : index
      %swap3A_314 = tpu.vector_load %arg8[%swap3A, %swap3A_313] {strides = array<i32>} : memref<2048x16xf32, #tpu.memory_space<vmem>>, vector<16xf32>,
      tpu.vector_store %arg8[%swap3A, %swap3A_313], %add3A_310 {strides = array<i32>} : memref<2048x16xf32, #tpu.memory_space<vmem>>, vector<16xf32>,
      scf.yield %add3A_310 : vector<16xf32>
    }
    %scan3A_291 = arith.constant 128 : i32
    %broadcast_in_dim3A_292 = arith.constant 0.000000e+00 : f32
    %broadcast_in_dim3A_293 = vector.broadcast %broadcast_in_dim3A_292 : f32 to vector<16xf32>
    %scan3A_294 = arith.constant 0 : i32
    %scan3A_295 = arith.constant 128 : i32
    %scan3A_296 = arith.addi %scan3A_294, %scan3A_295 : i32
    %scan3A_297 = arith.constant 1 : i32
    %scan3A_298 = scf.for %scan3A_302 = %scan3A_294 to %scan3A_296 step %scan3A_297 iter_args(%scan3A_303 = %broadcast_in_dim3A_293) -> (vector<16xf32>)  : i32 {
      %add3A_304 = arith.constant 1920 : i32
      %add3A_305 = arith.addi %add3A_304, %scan3A_302 : i32
      %mul3A_306 = arith.constant 16 : i32
      %mul3A_307 = arith.muli %add3A_305, %mul3A_306 : i32
      %get3A_308 = arith.index_cast %mul3A_307 : i32 to index
      %get3A_309 = tpu.vector_load %arg7[%get3A_308] {strides = array<i32>} : memref<32784xf32, #tpu.memory_space<vmem>>, vector<16xf32>,
      %add3A_310 = arith.addf %scan3A_303, %get3A_309 : vector<16xf32>
      %add3A_311 = arith.constant 1920 : i32
      %add3A_312 = arith.addi %add3A_311, %scan3A_302 : i32
      %swap3A = arith.index_cast %add3A_312 : i32 to index
      %swap3A_313 = arith.constant 0 : index
      %swap3A_314 = tpu.vector_load %arg8[%swap3A, %swap3A_313] {strides = array<i32>} : memref<2048x16xf32, #tpu.memory_space<vmem>>, vector<16xf32>,
      tpu.vector_store %arg8[%swap3A, %swap3A_313], %add3A_310 {strides = array<i32>} : memref<2048x16xf32, #tpu.memory_space<vmem>>, vector<16xf32>,
      scf.yield %add3A_310 : vector<16xf32>
    }
    %scan3A_299 = arith.constant 128 : i32
    %mul3A_300 = arith.constant 2048 : i32
    %mul3A_301 = arith.muli %select_n3A_30, %mul3A_300 : i32
    "tpu.region"() ({
      %run_scoped3A_302 = tpu.sem_alloc : memref<!tpu.dma_semaphore, #tpu.memory_space<semaphore_mem>>
      %dma_start3A_303 = arith.constant 0 : i32
      %dma_start3A_304 = tpu.memref_slice %arg4[%mul3A_301, %select_n3A, %dma_start3A_303] : memref<8192x8x16xf32, #tpu.memory_space<hbm>> -> memref<2048x1x16xf32, #tpu.memory_space<hbm>>
      %dma_start3A_305 = tpu.memref_squeeze %dma_start3A_304 : memref<2048x1x16xf32, #tpu.memory_space<hbm>> -> memref<2048x16xf32, #tpu.memory_space<hbm>>
      %dma_start3A_306 = arith.constant 0 : i32
      %dma_start3A_307 = tpu.memref_slice %arg4[%mul3A_301, %select_n3A, %dma_start3A_306] : memref<8192x8x16xf32, #tpu.memory_space<hbm>> -> memref<2048x1x16xf32, #tpu.memory_space<hbm>>
      %dma_start3A_308 = tpu.memref_squeeze %dma_start3A_307 : memref<2048x1x16xf32, #tpu.memory_space<hbm>> -> memref<2048x16xf32, #tpu.memory_space<hbm>>
      tpu.enqueue_dma source(%arg8 : memref<2048x16xf32, #tpu.memory_space<vmem>>) target(%dma_start3A_308 : memref<2048x16xf32, #tpu.memory_space<hbm>>) target_semaphore(%run_scoped3A_302 : memref<!tpu.dma_semaphore, #tpu.memory_space<semaphore_mem>>)
      %dma_wait3A = arith.constant 0 : i32
      %dma_wait3A_309 = tpu.memref_slice %arg4[%mul3A_301, %select_n3A, %dma_wait3A] : memref<8192x8x16xf32, #tpu.memory_space<hbm>> -> memref<2048x1x16xf32, #tpu.memory_space<hbm>>
      %dma_wait3A_310 = tpu.memref_squeeze %dma_wait3A_309 : memref<2048x1x16xf32, #tpu.memory_space<hbm>> -> memref<2048x16xf32, #tpu.memory_space<hbm>>
      %dma_wait3A_311 = arith.constant 0 : i32
      %dma_wait3A_312 = tpu.memref_slice %arg4[%mul3A_301, %select_n3A, %dma_wait3A_311] : memref<8192x8x16xf32, #tpu.memory_space<hbm>> -> memref<2048x1x16xf32, #tpu.memory_space<hbm>>
      %dma_wait3A_313 = tpu.memref_squeeze %dma_wait3A_312 : memref<2048x1x16xf32, #tpu.memory_space<hbm>> -> memref<2048x16xf32, #tpu.memory_space<hbm>>
      tpu.wait_dma2 semaphore(%run_scoped3A_302 : memref<!tpu.dma_semaphore, #tpu.memory_space<semaphore_mem>>) src(%arg8 : memref<2048x16xf32, #tpu.memory_space<vmem>>) dst(%dma_wait3A_313 : memref<2048x16xf32, #tpu.memory_space<hbm>>)
      tpu.yield
    }) : () -> ()
    return
  }
}

module attributes {stable_mosaic.version = 14 : i64} {
  func.func @_tc1_body(%arg0: i32, %arg1: memref<3x32768xf32, #tpu.memory_space<vmem>>, %arg2: memref<1x32768xi32, #tpu.memory_space<vmem>>, %arg3: memref<3x128xf32, #tpu.memory_space<vmem>>, %arg4: memref<32768x128xi32, #tpu.memory_space<vmem>>, %arg5: memref<1x16xi32, #tpu.memory_space<vmem>>) attributes {dimension_semantics = [#tpu.dimension_semantics<arbitrary>], iteration_bounds = array<i64: 8>, scalar_prefetch = 0 : i64, scratch_operands = 0 : i64, tpu.core_type = #tpu.core_type<tc>, window_params = [{transform_indices = @transform_0, window_bounds = array<i64: 3, 32768>}, {transform_indices = @transform_1, window_bounds = array<i64: 1, 32768>}, {pipeline_mode = #tpu.pipeline_mode<synchronous>, transform_indices = @transform_2, window_bounds = array<i64: 3, 128>}, {transform_indices = @transform_3, window_bounds = array<i64: 32768, 128>}, {pipeline_mode = #tpu.pipeline_mode<synchronous>, transform_indices = @transform_4, window_bounds = array<i64: 1, 16>}]} {
    %get3A = arith.constant 0 : index
    %get3A_0 = arith.constant 0 : index
    %get3A_1 = vector.load %arg1[%get3A, %get3A_0] : memref<3x32768xf32, #tpu.memory_space<vmem>>, vector<3x32768xf32>
    %get3A_2 = arith.constant 0 : index
    %get3A_3 = arith.constant 0 : index
    %get3A_4 = vector.load %arg3[%get3A_2, %get3A_3] : memref<3x128xf32, #tpu.memory_space<vmem>>, vector<3x128xf32>
    %get3A_5 = arith.constant 0 : index
    %get3A_6 = arith.constant 0 : index
    %get3A_7 = vector.load %arg2[%get3A_5, %get3A_6] : memref<1x32768xi32, #tpu.memory_space<vmem>>, vector<1x32768xi32>
    %and3A = arith.constant 15 : i32
    %and3A_8 = vector.broadcast %and3A : i32 to vector<1x32768xi32>
    %and3A_9 = arith.andi %get3A_7, %and3A_8 : vector<1x32768xi32>
    %convert_element_type3A = arith.sitofp %and3A_9 : vector<1x32768xi32> to vector<1x32768xf32>
    %broadcast_in_dim3A = arith.constant 1.000000e+00 : f32
    %broadcast_in_dim3A_10 = vector.broadcast %broadcast_in_dim3A : f32 to vector<1x32768xf32>
    %concatenate3A = tpu.concatenate %get3A_1, %broadcast_in_dim3A_10, %convert_element_type3A in 0 : vector<3x32768xf32>, vector<1x32768xf32>, vector<1x32768xf32> -> vector<5x32768xf32>
    %iota3A = tpu.iota {dimensions = array<i32: 1>} : vector<1x128xi32>
    %and3A_11 = arith.constant 15 : i32
    %and3A_12 = vector.broadcast %and3A_11 : i32 to vector<1x128xi32>
    %and3A_13 = arith.andi %iota3A, %and3A_12 : vector<1x128xi32>
    %convert_element_type3A_14 = arith.sitofp %and3A_13 : vector<1x128xi32> to vector<1x128xf32>
    %mul3A = arith.constant 58.1818199 : f32
    %mul3A_15 = vector.broadcast %mul3A : f32 to vector<3x128xf32>
    %mul3A_16 = arith.mulf %get3A_4, %mul3A_15 : vector<3x128xf32>
    %broadcast_in_dim3A_17 = arith.constant 6.400000e+01 : f32
    %broadcast_in_dim3A_18 = vector.broadcast %broadcast_in_dim3A_17 : f32 to vector<1x128xf32>
    %broadcast_in_dim3A_19 = arith.constant 0.000000e+00 : f32
    %broadcast_in_dim3A_20 = vector.broadcast %broadcast_in_dim3A_19 : f32 to vector<1x128xf32>
    %concatenate3A_21 = tpu.concatenate %mul3A_16, %broadcast_in_dim3A_18, %broadcast_in_dim3A_20 in 0 : vector<3x128xf32>, vector<1x128xf32>, vector<1x128xf32> -> vector<5x128xf32>
    %broadcast_in_dim3A_22 = arith.constant 0.000000e+00 : f32
    %broadcast_in_dim3A_23 = vector.broadcast %broadcast_in_dim3A_22 : f32 to vector<3x128xf32>
    %broadcast_in_dim3A_24 = arith.constant 2.048000e+03 : f32
    %broadcast_in_dim3A_25 = vector.broadcast %broadcast_in_dim3A_24 : f32 to vector<1x128xf32>
    %concatenate3A_26 = tpu.concatenate %broadcast_in_dim3A_23, %convert_element_type3A_14, %broadcast_in_dim3A_25 in 0 : vector<3x128xf32>, vector<1x128xf32>, vector<1x128xf32> -> vector<5x128xf32>
    %concatenate3A_27 = tpu.concatenate %concatenate3A_21, %concatenate3A_26 in 1 : vector<5x128xf32>, vector<5x128xf32> -> vector<5x256xf32>
    %dot_general3A = arith.constant dense<0.000000e+00> : vector<32768x256xf32>
    %dot_general3A_28 = tpu.matmul %concatenate3A, %concatenate3A_27, %dot_general3A {dimension_numbers = #tpu.dot_dimension_numbers<[0], [0], [1], [1], [0, 1, 1, 1], [], []>, transpose_lhs_hint = false} : vector<5x32768xf32>, vector<5x256xf32>, vector<32768x256xf32> -> vector<32768x256xf32>
    %slice3A = vector.extract_strided_slice %dot_general3A_28 {offsets = [0, 0], sizes = [32768, 128], strides = [1, 1]} : vector<32768x256xf32> to vector<32768x128xf32>
    %slice3A_29 = vector.extract_strided_slice %dot_general3A_28 {offsets = [0, 128], sizes = [32768, 128], strides = [1, 1]} : vector<32768x256xf32> to vector<32768x128xf32>
    %jit3A = arith.constant 0.000000e+00 : f32
    %jit3A_30 = arith.constant 1.270000e+02 : f32
    %max3A = vector.broadcast %jit3A : f32 to vector<32768x128xf32>
    %max3A_31 = arith.maximumf %max3A, %slice3A : vector<32768x128xf32>
    %min3A = vector.broadcast %jit3A_30 : f32 to vector<32768x128xf32>
    %min3A_32 = arith.minimumf %min3A, %max3A_31 : vector<32768x128xf32>
    %floor3A = math.floor %min3A_32 : vector<32768x128xf32>
    %mul3A_33 = arith.constant 1.600000e+01 : f32
    %mul3A_34 = vector.broadcast %mul3A_33 : f32 to vector<32768x128xf32>
    %mul3A_35 = arith.mulf %floor3A, %mul3A_34 : vector<32768x128xf32>
    %add3A = arith.addf %slice3A_29, %mul3A_35 : vector<32768x128xf32>
    %convert_element_type3A_36 = arith.fptosi %add3A : vector<32768x128xf32> to vector<32768x128xi32>
    %swap3A = arith.constant 0 : index
    %swap3A_37 = arith.constant 0 : index
    %swap3A_38 = vector.load %arg4[%swap3A, %swap3A_37] : memref<32768x128xi32, #tpu.memory_space<vmem>>, vector<32768x128xi32>
    tpu.vector_store %arg4[%swap3A, %swap3A_37], %convert_element_type3A_36 {strides = array<i32>} : memref<32768x128xi32, #tpu.memory_space<vmem>>, vector<32768x128xi32>,
    %iota3A_39 = tpu.iota {dimensions = array<i32: 0>} : vector<16x1xi32>
    %add3A_40 = arith.constant 1 : i32
    %add3A_41 = vector.broadcast %add3A_40 : i32 to vector<16x1xi32>
    %add3A_42 = arith.addi %iota3A_39, %add3A_41 : vector<16x1xi32>
    %mul3A_43 = arith.constant 16 : i32
    %mul3A_44 = vector.broadcast %mul3A_43 : i32 to vector<16x1xi32>
    %mul3A_45 = arith.muli %add3A_42, %mul3A_44 : vector<16x1xi32>
    %lt3A = vector.broadcast %get3A_7 : vector<1x32768xi32> to vector<16x32768xi32>
    %lt3A_46 = vector.broadcast %mul3A_45 : vector<16x1xi32> to vector<16x32768xi32>
    %lt3A_47 = arith.cmpi slt, %lt3A, %lt3A_46 : vector<16x32768xi32>
    %convert_element_type3A_48 = arith.extui %lt3A_47 : vector<16x32768xi1> to vector<16x32768xi32>
    %convert_element_type3A_49 = arith.sitofp %convert_element_type3A_48 : vector<16x32768xi32> to vector<16x32768xf32>
    %broadcast_in_dim3A_50 = arith.constant 1.000000e+00 : f32
    %broadcast_in_dim3A_51 = vector.broadcast %broadcast_in_dim3A_50 : f32 to vector<1x32768xf32>
    %dot_general3A_52 = arith.constant dense<0.000000e+00> : vector<1x16xf32>
    %dot_general3A_53 = tpu.matmul %broadcast_in_dim3A_51, %convert_element_type3A_49, %dot_general3A_52 {dimension_numbers = #tpu.dot_dimension_numbers<[1], [1], [0], [0], [0, 0, 1, 0], [], []>, transpose_lhs_hint = false} : vector<1x32768xf32>, vector<16x32768xf32>, vector<1x16xf32> -> vector<1x16xf32>
    %eq3A = arith.constant 0 : i32
    %eq3A_54 = arith.cmpi eq, %arg0, %eq3A : i32
    %convert_element_type3A_55 = arith.extui %eq3A_54 : i1 to i32
    %cond3A = arith.constant 0 : i32
    %cond3A_56 = arith.cmpi ne, %convert_element_type3A_55, %cond3A : i32
    scf.if %cond3A_56 {
      %broadcast_in_dim3A_65 = arith.constant 0 : i32
      %broadcast_in_dim3A_66 = vector.broadcast %broadcast_in_dim3A_65 : i32 to vector<1x16xi32>
      %swap3A_67 = arith.constant 0 : index
      %swap3A_68 = arith.constant 0 : index
      %swap3A_69 = vector.load %arg5[%swap3A_67, %swap3A_68] : memref<1x16xi32, #tpu.memory_space<vmem>>, vector<1x16xi32>
      tpu.vector_store %arg5[%swap3A_67, %swap3A_68], %broadcast_in_dim3A_66 {strides = array<i32>} : memref<1x16xi32, #tpu.memory_space<vmem>>, vector<1x16xi32>,
    } else {
    }
    %get3A_57 = arith.constant 0 : index
    %get3A_58 = arith.constant 0 : index
    %get3A_59 = vector.load %arg5[%get3A_57, %get3A_58] : memref<1x16xi32, #tpu.memory_space<vmem>>, vector<1x16xi32>
    %convert_element_type3A_60 = arith.fptosi %dot_general3A_53 : vector<1x16xf32> to vector<1x16xi32>
    %add3A_61 = arith.addi %get3A_59, %convert_element_type3A_60 : vector<1x16xi32>
    %swap3A_62 = arith.constant 0 : index
    %swap3A_63 = arith.constant 0 : index
    %swap3A_64 = vector.load %arg5[%swap3A_62, %swap3A_63] : memref<1x16xi32, #tpu.memory_space<vmem>>, vector<1x16xi32>
    tpu.vector_store %arg5[%swap3A_62, %swap3A_63], %add3A_61 {strides = array<i32>} : memref<1x16xi32, #tpu.memory_space<vmem>>, vector<1x16xi32>,
    return
  }
  func.func @transform_0(%arg0: i32) -> (i32, i32) {
    %c0_i32 = arith.constant 0 : i32
    %c0_i32_0 = arith.constant 0 : i32
    return %c0_i32, %arg0 : i32, i32
  }
  func.func @transform_1(%arg0: i32) -> (i32, i32) {
    %c0_i32 = arith.constant 0 : i32
    %c0_i32_0 = arith.constant 0 : i32
    return %c0_i32, %arg0 : i32, i32
  }
  func.func @transform_2(%arg0: i32) -> (i32, i32) {
    %c0_i32 = arith.constant 0 : i32
    %c0_i32_0 = arith.constant 0 : i32
    %c0_i32_1 = arith.constant 0 : i32
    return %c0_i32, %c0_i32_0 : i32, i32
  }
  func.func @transform_3(%arg0: i32) -> (i32, i32) {
    %c0_i32 = arith.constant 0 : i32
    %c0_i32_0 = arith.constant 0 : i32
    return %arg0, %c0_i32 : i32, i32
  }
  func.func @transform_4(%arg0: i32) -> (i32, i32) {
    %c0_i32 = arith.constant 0 : i32
    %c0_i32_0 = arith.constant 0 : i32
    %c0_i32_1 = arith.constant 0 : i32
    return %c0_i32, %c0_i32_0 : i32, i32
  }
}

</mosaic_0001>

<sc_bundles>
// kernel: kernel.4.cloned.1.call-start
scs
__scs_entry_jumppad:
0x0: {  	(pc) =	sbr.rel $0x88, $3  }
0x1: {  	(tag) =	ssettag $0x0;
	lr =	simm.s32 $0x1  }
0x2: {  	[smem:$0x3F9E] =	sst lr;
	_ =	strace $0xD0000000  }
0x3: {  	_ = 	snop  }
0x4: {  	_ = 	snop  }
0x5: {  	_ = 	snop  }
0x6: {  	_ = 	snop  }
0x7: {  	_ = 	snop  }
__scs_overlays_trampoline_lowered:
0x8: {  	[smem:$0x3FAD] =	sst s0  }
0x9: {  	[smem:$0x3FAE] =	sst s1  }
0xa: {  	[smem:$0x3FAF] =	sst s2  }
0xb: {  	[smem:$0x3FB0] =	sst s3  }
0xc: {  	[smem:$0x3FB1] =	sst s4  }
0xd: {  	[smem:$0x3FB2] =	sst s5  }
0xe: {  	[smem:$0x3FB3] =	sst s6  }
0xf: {  	[smem:$0x3FB4] =	sst s7  }
0x10: {  	[smem:$0x3FB5] =	sst s8  }
0x11: {  	[smem:$0x3FB6] =	sst s9;
	s0 =	simm.s32 @!p0 $0x0  }
0x12: {  	s1 =	sld [smem:$0x3F9C];
	s0 =	simm.s32 @p0 $0x1  }
0x13: {  	[smem:$0x3FB7] =	sst s0;
	s0 =	simm.s32 @!p1 $0x0  }
0x14: {  	s2 =	sld [smem:$0x3F9B];
	s0 =	simm.s32 @p1 $0x1  }
0x15: {  	[smem:$0x3FB8] =	sst s0;
	s0 =	simm.s32 @!p2 $0x0  }
0x16: {  	s3 =	sld [smem:$0x3FDB];
	s0 =	simm.s32 @p2 $0x1  }
0x17: {  	s4 =	simm.s32 $0x1BF5;
	[smem:$0x3FBA] =	sst s0  }
0x18: {  	s0 =	sld [smem:$0x3F9D];
	_ =	swait.ge [sflag:s4], $0x0  }
0x19: {  	s7 =	sld [smem:$0x3F9E]  }
0x1a: {  	s8 =	sadd.s32 $0xFFFFE003, lr  }
0x1b: {  	s9 =	sadd.s32 $0xFFFFFEF7, lr;
	s5 =	simm.s32 $0xFFFFFFFF;
	p2 =	slt.u32 s8, $0xFFFFF086  }
0x1c: {  	p1 =	slt.u32 s9, $0xF7A;
	s5 =	simm.s32 @!p2 $0x0  }
0x1d: {  	s5 =	simm.s32 @p1 $0x1;
	p0 =	seq.s32 s7, s2  }
0x1e: {  	s7 =	smul.u32 @!p0 $0xF7A, s2;
	p2 =	seq.s32 @!p0 s5, $0x0  }
0x1f: {  	s9 =	smul.u32 $0xF7A, s1;
	s8 =	simm.s32 @!p0 $0x1BF5;
	p2 =	por !p2, p0  }
0x20: {  	[sflag:s8] =	ssyncset.s32 @!p0 $0xFFFFF086;
	s6 =	sadd.s32 @!p0 s3, s7;
	s7 =	simm.s32 @!p0 $0x108  }
0x21: {  	s3 =	sadd.s32 s3, s9;
	s6 =	sadd.s32 @!p0 $0x88, s6;
	s7 =	simm.s32 @p2 $0x1082  }
0x22: {  	[simem:s7], [sflag:s8] =	dma.local @!p0 [hbm:s6], $0xF7A  }
0x23: {  	s9 =	sor.u32 $0xD0000000, s2;
	s6 =	simm.s32 $0x108;
	_ =	swait.ge @!p0 [sflag:s8], $0x0  }
0x24: {  	s3 =	sadd.s32 $0x88, s3;
	s6 =	simm.s32 @!p1 $0x1082;
	[sflag:s4] =	ssyncset.s32 $0xFFFFF086  }
0x25: {  	[simem:s6], [sflag:s4] =	dma.local [hbm:s3], $0xF7A  }
0x26: {  	[smem:$0x3F9E] =	sst s1;
	(tag) =	ssettag s2;
	_ =	strace s9  }
0x27: {  	s1 =	sld [smem:$0x3FAE]  }
0x28: {  	s2 =	sld [smem:$0x3FAF]  }
0x29: {  	s4 =	sld [smem:$0x3FB1]  }
0x2a: {  	p0 =	seq.s32 s5, $0x0;
	s5 =	sld [smem:$0x3FB2]  }
0x2b: {  	s6 =	sld [smem:$0x3FB3]  }
0x2c: {  	s7 =	sld [smem:$0x3FB4]  }
0x2d: {  	s3 =	simm.s32 $0x108;
	s8 =	sld [smem:$0x3FB5]  }
0x2e: {  	s3 =	simm.s32 @!p0 $0x1082;
	s9 =	sld [smem:$0x3FB6]  }
0x2f: {  	lr =	sadd.s32 s0, s3;
	s0 =	sld [smem:$0x3FAD]  }
0x30: {  	s3 =	sld [smem:$0x3FB0]  }
0x31: {  	[smem:$0x3FB9] =	sst s10  }
0x32: {  	s10 =	sld [smem:$0x3FB7];
	_ =	sdelay $0x3  }
0x33: {  	p0 =	seq.s32 s10, $0x1;
	s10 =	sld [smem:$0x3FB9];
	_ =	sdelay $0x3  }
0x34: {  	[smem:$0x3FB9] =	sst s10  }
0x35: {  	s10 =	sld [smem:$0x3FB8];
	_ =	sdelay $0x3  }
0x36: {  	p1 =	seq.s32 s10, $0x1;
	s10 =	sld [smem:$0x3FB9];
	_ =	sdelay $0x3  }
0x37: {  	[smem:$0x3FB9] =	sst s10  }
0x38: {  	s10 =	sld [smem:$0x3FBA]  }
0x39: {  	_ = 	snop;
	(pc) =	sbr.ind lr, $3  }
0x3a: {  	_ = 	snop  }
0x3b: {  	_ = 	snop  }
0x3c: {  	p2 =	seq.s32 s10, $0x1;
	s10 =	sld [smem:$0x3FB9]  }
0x3d: {  	_ =	shalt  }
0x3e: {  	_ =	shalt  }
0x3f: {  	_ =	shalt  }
0x40: {  	_ =	shalt  }
0x41: {  	_ =	shalt  }
0x42: {  	_ =	shalt  }
0x43: {  	_ =	shalt  }
0x44: {  	_ =	shalt  }
0x45: {  	_ =	shalt  }
0x46: {  	_ =	shalt  }
0x47: {  	_ =	shalt  }
0x48: {  	_ =	shalt  }
0x49: {  	_ =	shalt  }
0x4a: {  	_ =	shalt  }
0x4b: {  	_ =	shalt  }
0x4c: {  	_ =	shalt  }
0x4d: {  	_ =	shalt  }
0x4e: {  	_ =	shalt  }
0x4f: {  	_ =	shalt  }
0x50: {  	_ =	shalt  }
0x51: {  	_ =	shalt  }
0x52: {  	_ =	shalt  }
0x53: {  	_ =	shalt  }
0x54: {  	_ =	shalt  }
0x55: {  	_ =	shalt  }
0x56: {  	_ =	shalt  }
0x57: {  	_ =	shalt  }
0x58: {  	_ =	shalt  }
0x59: {  	_ =	shalt  }
0x5a: {  	_ =	shalt  }
0x5b: {  	_ =	shalt  }
0x5c: {  	_ =	shalt  }
0x5d: {  	_ =	shalt  }
0x5e: {  	_ =	shalt  }
0x5f: {  	_ =	shalt  }
0x60: {  	_ =	shalt  }
0x61: {  	_ =	shalt  }
0x62: {  	_ =	shalt  }
0x63: {  	_ =	shalt  }
0x64: {  	_ =	shalt  }
0x65: {  	_ =	shalt  }
0x66: {  	_ =	shalt  }
0x67: {  	_ =	shalt  }
0x68: {  	_ =	shalt  }
0x69: {  	_ =	shalt  }
0x6a: {  	_ =	shalt  }
0x6b: {  	_ =	shalt  }
0x6c: {  	_ =	shalt  }
0x6d: {  	_ =	shalt  }
0x6e: {  	_ =	shalt  }
0x6f: {  	_ =	shalt  }
0x70: {  	_ =	shalt  }
0x71: {  	_ =	shalt  }
0x72: {  	_ =	shalt  }
0x73: {  	_ =	shalt  }
0x74: {  	_ =	shalt  }
0x75: {  	_ =	shalt  }
0x76: {  	_ =	shalt  }
0x77: {  	_ =	shalt  }
0x78: {  	_ =	shalt  }
0x79: {  	_ =	shalt  }
0x7a: {  	_ =	shalt  }
0x7b: {  	_ =	shalt  }
0x7c: {  	_ =	shalt  }
0x7d: {  	_ =	shalt  }
0x7e: {  	_ =	shalt  }
0x7f: {  	_ =	shalt  }
0x80: {  	_ =	shalt  }
0x81: {  	_ =	shalt  }
0x82: {  	_ =	shalt  }
0x83: {  	_ =	shalt  }
0x84: {  	_ =	shalt  }
0x85: {  	_ =	shalt  }
0x86: {  	_ =	shalt  }
0x87: {  	_ =	shalt  }
.Lfunc_end0:
.L_simem_size_0:
called_computation_lowered:
.L_overlay_start_0:
0x88: {  	s2 =	sld [smem:$0x3FD9]  }
0x89: {  	s3 =	sld [smem:$0x3FFE];
	_ =	sdelay $0x1  }
0x8a: {  	s1 =	srdreg.scid  }
0x8b: {  	s0 =	sand.u32 $0x1, s1  }
0x8c: {  	s17 =	sshll.u32 s0, $0xA;
	s2 =	sadd.s32 s3, s2  }
0x8d: {  	s2 =	sadd.s32 s2, s17  }
0x8e: {  	[smem:$0x3FC5] =	sst s2  }
0x8f: {  	_ = 	snop  }
0x90: {  	s2 =	sld [smem:$0x3FD0];
	(tm) =	ssettm $0x1  }
0x91: {  	s18 =	sld [smem:$0x3FFB];
	_ =	sdelay $0x3  }
0x92: {  	_ =	strace s18  }
0x93: {  	s3 =	sld [smem:$0x3FFC];
	_ =	sdelay $0x3  }
0x94: {  	_ =	strace s3  }
0x95: {  	s3 =	sld [smem:$0x3FFD];
	_ =	sdelay $0x3  }
0x96: {  	_ =	strace s3  }
0x97: {  	_ =	strace $0x8FFFFFFF  }
0x98: {  	s19 =	sld [smem:$0x3FDB];
	_ =	sdelay $0x1  }
0x99: {  	s4 =	simm.s32 $_scs_section_size  }
0x9a: {  	s5 =	simm.s32 $_size__tile_overlayer_lowered;
	s6 =	simm.s32 $_tile_overlayer_lowered  }
0x9b: {  	s22 =	simm.s32 $0x1BFF;
	s21 =	sshll.u32 s6, $0x1;
	s3 =	sadd.s32 s4, s19  }
0x9c: {  	s7 =	simm.s32 $0x0;
	s20 =	sshll.u32 s5, $0x1;
	s5 =	sadd.s32 s21, s3  }
0x9d: {  	[timem:s7], [sflag:s22] =	dma.local [hbm:s5], s20  }
0x9e: {  	_ =	swait.ge [sflag:s22], s20  }
0x9f: {  	s4 =	ssub.s32 $0x0, s20;
	[sflag:s22] =	ssyncset.done $0x0  }
0xa0: {  	[sflag:s22] =	ssyncadd.s32 s4;
	_ =	sdelay $0x1  }
0xa1: {  	s23 =	simm.s32 $0x1B8B  }
0xa2: {  	_ =	swait.ge [sflag:s23], $0x1  }
0xa3: {  	[sflag:s23] =	ssyncset.done $0x0  }
0xa4: {  	s25 =	simm.s32 $0x1B8E;
	s24 =	sld [smem:$0x3FFE];
	[sflag:s23] =	ssyncadd.s32 $0xFFFFFFFF  }
0xa5: {  	s26 =	simm.s32 $execute0_lowered;
	[smem:$0x3FD2] =	sst s25  }
0xa6: {  	s5 =	sshll.u32 s26, $0x1;
	_ =	strace $0x80000046;
	[dreg:$0x1] =	wrdreg $0xFFFFFFFF  }
0xa7: {  	s28 =	simm.s32 $_size_execute0_lowered;
	s3 =	sadd.s32 s3, s5;
	[dreg:$0x0] =	wrdreg $0x0  }
0xa8: {  	s5 =	sshll.u32 s28, $0x1;
	[dreg:$0x2] =	wrdreg s3  }
0xa9: {  	[dreg:$0x3] =	wrdreg s5  }
0xaa: {  	[dreg:$0x4] =	wrdreg $0xC0  }
0xab: {  	_ =	task [dreg:s7], $0x5FFFF  }
0xac: {  	[dreg:$0x1] =	wrdreg $0xFFFFFFFF  }
0xad: {  	[dreg:$0x0] =	wrdreg $0x60  }
0xae: {  	[dreg:$0x2] =	wrdreg s24  }
0xaf: {  	[dreg:$0x3] =	wrdreg s2  }
0xb0: {  	[dreg:$0x4] =	wrdreg $0x9  }
0xb1: {  	_ =	task.clear_ibuf [dreg:s7], $0x5FFFF;
	_ =	strace $0x90000046  }
0xb2: {  	s29 =	simm.s32 $0x9;
	_ =	strace $0x80000048  }
0xb3: {  	_ =	swait.ge [sflag:s29], $0x1  }
0xb4: {  	[sflag:s29] =	ssyncadd.s32 $0xFFFFFFFF  }
0xb5: {  	_ =	strace $0x90000048  }
0xb6: {  	_ =	sfence  }
0xb7: {  	s30 =	sld [smem:$0x0];
	_ =	sdelay $0x2  }
0xb8: {  	s31 =	sshll.u32 s1, $0xD;
	s1 =	sshrl.u32 s1, $0x2  }
0xb9: {  	s3 =	sand.u32 $0x4000, s31;
	s1 =	sadd.s32 s1, s30  }
0xba: {  	s0 =	sor.u32 s3, s0;
	s1 =	sshll.u32 s1, $0x11  }
0xbb: {  	s0 =	sor.u32 s1, s0  }
0xbc: {  	s0 =	sadd.s32 $0x8F2B, s0  }
0xbd: {  	[sflag:s0] =	ssyncadd.remote.s32 $0x1  }
0xbe: {  	_ =	sfence.sel $0xFFFF  }
0xbf: {  	[dreg:$0x0] =	wrdreg $0xFFFFFFFF;
	(pc) =	sbr.abs _section_cstart, $3  }
0xc0: {  	[dreg:$0x1] =	wrdreg $0xFFFFFFFF  }
0xc1: {  	_ =	task.clear_ibuf [dreg:s7], $0x2FFFF;
	_ =	strace $0x9FFFFFFF  }
0xc2: {  	(tm) =	ssettm $0x7FFFFFFF  }
0xc3: {  	_ =	shalt  }
tec
execute0_lowered:
.L_overlay_start_1:
0x0: {  	(tag) =	ssettag $0x1  }
0x1: {  	s0 =	rddreg [dreg:$0x0]  }
0x2: {  	s1 =	rddreg [dreg:$0x1];
	s5 =	stileid.u32  }
0x3: {  	s2 =	simm.s32 $0x0;
	s3 =	srdreg.scid;
	s10 =	simm.s32 $0x10  }
0x4: {  	s11 =	simm.s32 $0x80;
	s13 =	simm.s32 $0x1;
	s14 =	simm.s32 $0xC000  }
0x5: {  	s15 =	simm.s32 $0x2;
	s17 =	simm.s32 $0x0;
	s4 =	sshll.u32 s5, $0x1  }
0x6: {  	[smem:$0x7FF] =	sst s2;
	s3 =	sand.u32 $0x1, s3;
	s28 =	sshll.u32 s5, $0x3  }
0x7: {  	s5 =	sadd.s32 $0x406E00, s0;
	s4 =	sand.u32 $0x2, s4;
	_ =	strace $0x80000047  }
0x8: {  	s6 =	ssub.s32 $0x2, s3;
	s8 =	sor.u32 s3, s4;
	s3 =	sand.u32 $0x70, s28  }
0x9: {  	s4 =	sadd.s32 $0xE00, s0;
	s7 =	sshrl.u32 s6, $0x1;
	s29 =	sshll.u32 s8, $0x12  }
0xa: {  	vm0 =	vmmov $0x1;
	s30 =	ssub.s32 s6, s7;
	p0 =	seq.s32 s8, $0x2;
	s9 =	sor.u32 s3, s29  }
0xb: {  	vm1 =	vcmask $0x308;
	vm2 =	vcmask $0x70C;
	v1 =	vlaneseq.u32;
	p1 =	seq.s32 s8, $0x1;
	p2 =	seq.s32 s8, $0x0;
	s31 =	sshrl.u32 s9, $0x3  }
0xc: {  	v0 =	vimm.f32 $0.0e+00;
	v2 =	vimm.f32 $1.000000000e+00;
	v1 =	vor.u32 $0x8000, v1;
	s7 =	smax.u32 s30, $0x1;
	s9 =	simm.s32 $0x3;
	s6 =	sadd.s32 s1, s31  }
.LBB2_1:
0xd: {  	s0 =	simm.s32 $0x1C010  }
0xe: {  	[tilespmem:s0], [sflag:$0x3] =	stream.linear.gather [hbm4b:s5+s2], $0x10, $0x38;
	[tilespmem:$0x1C020] =	vst v63  }
0xf: {  	_ =	swait.ge [sflag:s9], $0x10  }
0x10: {  	[sflag:s9] =	ssyncset.done $0x0  }
0x11: {  	[sflag:s9] =	ssyncadd.s32 $0xFFFFFFF0  }
0x12: {  	v3 =	vld [tilespmem:$0x1C010];
	_ =	sdelay $0x4  }
0x13: {  	v4 =	vnsel vm0, $0x0, v3  }
0x14: {  	v63 =	vsel vm1, $0x0, v3;
	(xrf0) =	vadd.scan.msk.s32 $0xffff, v4  }
0x15: {  	v3 =	vsel vm2, $0x0, v3;
	(xrf0) =	vadd.scan.msk.s32 $0xffff, v63  }
0x16: {  	(xrf0) =	vadd.scan.msk.s32 $0xffff, v3;
	_ =	sdelay $0x3  }
0x17: {  	v3, _, _ =	vpop (xrf0)  }
0x18: {  	v4, _, _ =	vpop (xrf0);
	(v2sf) =	vpush v3, $0xF  }
0x19: {  	(v2sf) =	vpush v4, $0xF;
	v3, _, _ =	vpop (xrf0)  }
0x1a: {  	(v2sf) =	vpush v3, $0xF;
	_ =	sdelay $0xc  }
0x1b: {  	s0 =	spop (v2sf)  }
0x1c: {  	s1 =	spop (v2sf)  }
0x1d: {  	s18 =	spop (v2sf)  }
0x1e: {  	s19 =	smov.u32 s18  }
0x1f: {  	s19 =	smov.u32 @p0 s1  }
0x20: {  	s19 =	smov.u32 @p1 s0  }
0x21: {  	s19 =	simm.s32 @p2 $0x0  }
0x22: {  	p3 =	slt.s32 s19, $0x40000;
	s20 =	smov.u32 s19  }
0x23: {  	s20 =	simm.s32 @!p3 $0x40000  }
0x24: {  	s20 =	sshll.u32 s20, $0x7  }
0x25: {  	s20 =	sor.u32 s3, s20  }
0x26: {  	s20 =	sshrl.u32 s20, $0x3  }
0x27: {  	s20 =	sadd.s32 s4, s20  }
0x28: {  	[tilespmem:s2], [sflag:$0x1] =	stream.strided.gather [hbm4b:s20+s10], $0x6000, s11, s10, $0x38;
	[tilespmem:$0x1C020] =	vst v63  }
0x29: {  	s20 =	sadd.s32 $0x600, s19  }
0x2a: {  	p3 =	slt.s32 s20, $0x40000  }
0x2b: {  	s20 =	simm.s32 @!p3 $0x40000  }
0x2c: {  	s20 =	sshll.u32 s20, $0x7  }
0x2d: {  	s20 =	sor.u32 s3, s20  }
0x2e: {  	s20 =	sshrl.u32 s20, $0x3  }
0x2f: {  	s8 =	simm.s32 $0x6000;
	s20 =	sadd.s32 s4, s20  }
0x30: {  	[tilespmem:s8], [sflag:$0x2] =	stream.strided.gather [hbm4b:s20+s10], $0x6000, s11, s10, $0x38;
	[tilespmem:$0x1C020] =	vst v63  }
0x31: {  	s21 =	simm.s32 $0x0;
	s20 =	simm.s32 $0x40  }
.LBB2_2:
0x32: {  	p3 =	seq.s32 s20, $0x20000;
	[tilespmem:s21+$0xC000] =	vst v0;
	s21 =	smov.u32 s20;
	s20 =	sadd.s32 $0x40, s20  }
.Ltmp0:
0x33: {  	(pc) =	sbr.rel @!p3 .LBB2_2-.Ltmp0, $2  }
0x34: {  	_ =	sdelay $0x2  }
0x35: {  	s21 =	sshra.s32 s21, $0x2  }
0x36: {  	s18 =	simm.s32 @!p0 $0x40000  }
0x37: {  	s18 =	smov.u32 @p1 s1  }
0x38: {  	s18 =	smov.u32 @p2 s0  }
0x39: {  	s20 =	ssub.s32 s18, s19  }
0x3a: {  	s25 =	sadd.s32 $0x5FF, s20  }
0x3b: {  	s26 =	smulhi.u32 $0x2AAAAAAB, s25;
	s29 =	sshra.s32 s25, $0x1F  }
0x3c: {  	[tilespmem:s21+$0xC000] =	vst v0;
	s21 =	smul.u32 $0x2AAAAAAB, s29;
	_ =	sdelay $0x1  }
0x3d: {  	s1 =	sadd.s32 s21, s26  }
0x3e: {  	s21 =	sshrl.u32 s1, $0x1F;
	s1 =	sshra.s32 s1, $0x8  }
0x3f: {  	s1 =	sadd.s32 s21, s1  }
0x40: {  	s21 =	smul.u32 $0xFFFFFA00, s1  }
0x41: {  	s22 =	ssub.s32 $0xFFFFFA01, s20  }
0x42: {  	p3 =	slt.s32 s25, $0x1;
	p4 =	sne.s32 s21, s22  }
0x43: {  	p3 =	por !p3, !p4  }
0x44: {  	s0 =	simm.s32 $0x1;
	p3 =	por !p3, !p3  }
0x45: {  	s0 =	simm.s32 @!p3 $0x0  }
0x46: {  	s0 =	ssub.s32 s1, s0  }
0x47: {  	s1 =	sadd.s32 $0x1, s0  }
0x48: {  	s30 =	sand.u32 $0x1, s1  }
0x49: {  	p5 =	slt.s32 s0, $0x0;
	p6 =	seq.s32 s30, $0x1  }
0x4a: {  	s31 =	sshrl.u32 s1, $0x1F;
	p3 =	por !p5, !p6  }
0x4b: {  	s0 =	sadd.s32 s31, s1;
	s1 =	simm.s32 $0x1;
	p3 =	por !p3, !p3  }
0x4c: {  	s0 =	sshra.s32 s0, $0x1;
	s1 =	simm.s32 @!p3 $0x0  }
0x4d: {  	s23 =	sadd.s32 $0x1200, s19;
	s28 =	simm.s32 $0x0;
	s21 =	ssub.s32 s0, s1  }
0x4e: {  	s25 =	sadd.s32 $0xFFFFFA00, s18;
	p3 =	sgt.s32 s21, $0x1;
	s24 =	smov.u32 s21  }
0x4f: {  	s26 =	ssub.s32 s25, s19;
	s22 =	sadd.s32 $0xC00, s19;
	s24 =	simm.s32 @!p3 $0x1  }
.LBB2_4:
0x50: {  	s29 =	smul.u32 $0xC00, s28;
	_ =	sdelay $0x1  }
0x51: {  	s30 =	sadd.s32 s29, s19  }
0x52: {  	s0 =	ssub.s32 s18, s30  }
0x53: {  	p3 =	sgt.s32 s0, $0x5FF  }
.Ltmp1:
0x54: {  	_ = 	snop;
	(pc) =	sbr.rel @p3 .LBB2_7-.Ltmp1, $4  }
0x55: {  	_ = 	snop  }
0x56: {  	_ =	swait.ge [sflag:s13], $0x6000  }
0x57: {  	[sflag:s13] =	ssyncset.done $0x0  }
0x58: {  	[sflag:s13] =	ssyncadd.s32 $0xFFFFA000  }
0x59: {  	p3 =	sgt.s32 s20, $0x0;
	s0 =	smov.u32 s20  }
0x5a: {  	s0 =	simm.s32 @!p3 $0x0  }
0x5b: {  	s1 =	sadd.s32 $0xFFFFFFFF, s0  }
0x5c: {  	s31 =	sshll.u32 s0, $0x6;
	s0 =	sadd.s32 $0x1, s1  }
0x5d: {  	p3 =	slt.u32 s0, $0x5FF  }
.Ltmp2:
0x5e: {  	_ = 	snop;
	(pc) =	sbr.rel @!p3 .LBB2_7-.Ltmp2, $3  }
0x5f: {  	_ =	sdelay $0x1  }
0x60: {  	s1 =	sshra.s32 s31, $0x2  }
0x61: {  	[tilespmem:s1+$0x0] =	vst v1  }
.LBB2_6:
0x62: {  	s0 =	sadd.s32 $0x1, s0  }
0x63: {  	p3 =	slt.u32 s0, $0x5FF  }
.Ltmp3:
0x64: {  	_ = 	snop;
	(pc) =	sbr.rel @p3 .LBB2_6-.Ltmp3, $3  }
0x65: {  	_ =	sdelay $0x1  }
0x66: {  	s1 =	sadd.s32 $0x10, s1  }
0x67: {  	[tilespmem:s1+$0x0] =	vst v1  }
.LBB2_7:
0x68: {  	s0 =	simm.s32 $0x0  }
0x69: {  	v3 =	vld [tilespmem:s0+$0xF0]  }
0x6a: {  	v4 =	vld [tilespmem:s0+$0x50]  }
0x6b: {  	v5 =	vld [tilespmem:s0+$0xD0]  }
0x6c: {  	v6 =	vld [tilespmem:s0+$0xB0]  }
0x6d: {  	v7 =	vld [tilespmem:s0+$0x30]  }
0x6e: {  	v8 =	vld [tilespmem:s0+$0x40]  }
0x6f: {  	v9 =	vld [tilespmem:s0+$0x10]  }
0x70: {  	v10 =	vld [tilespmem:s0+$0x20]  }
0x71: {  	v11 =	vld [tilespmem:s0+$0x0]  }
0x72: {  	v12 =	vld [tilespmem:s0+$0x90]  }
0x73: {  	v13 =	vld [tilespmem:s0+$0x60]  }
0x74: {  	v14 =	vld [tilespmem:s0+$0x70]  }
0x75: {  	v15 =	vld [tilespmem:s0+$0xC0]  }
0x76: {  	v16 =	vld [tilespmem:s0+$0x80]  }
0x77: {  	v17 =	vld [tilespmem:s0+$0xE0]  }
0x78: {  	v18 =	vld [tilespmem:s0+$0xA0]  }
0x79: {  	[tilespmem:v11+s14+$0x0] =	vst.idx.add.f32.msk $0xffff, v2  }
0x7a: {  	[tilespmem:v9+s14+$0x0] =	vst.idx.add.f32.msk $0xffff, v2  }
0x7b: {  	[tilespmem:v10+s14+$0x0] =	vst.idx.add.f32.msk $0xffff, v2  }
0x7c: {  	[tilespmem:v7+s14+$0x0] =	vst.idx.add.f32.msk $0xffff, v2  }
0x7d: {  	[tilespmem:v8+s14+$0x0] =	vst.idx.add.f32.msk $0xffff, v2  }
0x7e: {  	[tilespmem:v4+s14+$0x0] =	vst.idx.add.f32.msk $0xffff, v2  }
0x7f: {  	[tilespmem:v13+s14+$0x0] =	vst.idx.add.f32.msk $0xffff, v2  }
0x80: {  	[tilespmem:v14+s14+$0x0] =	vst.idx.add.f32.msk $0xffff, v2  }
0x81: {  	[tilespmem:v16+s14+$0x0] =	vst.idx.add.f32.msk $0xffff, v2  }
0x82: {  	[tilespmem:v12+s14+$0x0] =	vst.idx.add.f32.msk $0xffff, v2  }
0x83: {  	p3 =	sgt.s32 s26, $0x0;
	s0 =	smov.u32 s26;
	[tilespmem:v18+s14+$0x0] =	vst.idx.add.f32.msk $0xffff, v2  }
0x84: {  	s0 =	simm.s32 @!p3 $0x0;
	[tilespmem:v6+s14+$0x0] =	vst.idx.add.f32.msk $0xffff, v2  }
0x85: {  	s1 =	sshll.u32 s0, $0x6;
	[tilespmem:v15+s14+$0x0] =	vst.idx.add.f32.msk $0xffff, v2  }
0x86: {  	s28 =	sadd.s32 $0x1, s28;
	s1 =	sshra.s32 s1, $0x2;
	[tilespmem:v5+s14+$0x0] =	vst.idx.add.f32.msk $0xffff, v2  }
0x87: {  	s0 =	sadd.s32 $0xFFFFFFFF, s0;
	s31 =	sadd.s32 $0x6000, s1;
	s1 =	simm.s32 $0x400;
	[tilespmem:v17+s14+$0x0] =	vst.idx.add.f32.msk $0xffff, v2  }
.LBB2_8:
0x88: {  	s8 =	sshra.s32 s1, $0x2;
	p3 =	sne.s32 s1, $0x17C00;
	s1 =	sadd.s32 $0x400, s1;
	[tilespmem:v3+s14+$0x0] =	vst.idx.add.f32.msk $0xffff, v2  }
0x89: {  	v3 =	vld [tilespmem:s8+$0xF0]  }
0x8a: {  	v4 =	vld [tilespmem:s8+$0x50]  }
0x8b: {  	v5 =	vld [tilespmem:s8+$0xD0]  }
0x8c: {  	v6 =	vld [tilespmem:s8+$0xB0]  }
0x8d: {  	v7 =	vld [tilespmem:s8+$0x30]  }
0x8e: {  	v8 =	vld [tilespmem:s8+$0x40]  }
0x8f: {  	v9 =	vld [tilespmem:s8+$0x10]  }
0x90: {  	v10 =	vld [tilespmem:s8+$0x20]  }
0x91: {  	v11 =	vld [tilespmem:s8+$0x0]  }
0x92: {  	v12 =	vld [tilespmem:s8+$0x90]  }
0x93: {  	v13 =	vld [tilespmem:s8+$0x60]  }
0x94: {  	v14 =	vld [tilespmem:s8+$0x70]  }
0x95: {  	v15 =	vld [tilespmem:s8+$0xC0]  }
0x96: {  	v16 =	vld [tilespmem:s8+$0x80]  }
0x97: {  	v17 =	vld [tilespmem:s8+$0xE0]  }
0x98: {  	v18 =	vld [tilespmem:s8+$0xA0]  }
0x99: {  	[tilespmem:v11+s14+$0x0] =	vst.idx.add.f32.msk $0xffff, v2  }
0x9a: {  	[tilespmem:v9+s14+$0x0] =	vst.idx.add.f32.msk $0xffff, v2  }
0x9b: {  	[tilespmem:v10+s14+$0x0] =	vst.idx.add.f32.msk $0xffff, v2  }
0x9c: {  	[tilespmem:v7+s14+$0x0] =	vst.idx.add.f32.msk $0xffff, v2  }
0x9d: {  	[tilespmem:v8+s14+$0x0] =	vst.idx.add.f32.msk $0xffff, v2  }
0x9e: {  	[tilespmem:v4+s14+$0x0] =	vst.idx.add.f32.msk $0xffff, v2  }
0x9f: {  	[tilespmem:v13+s14+$0x0] =	vst.idx.add.f32.msk $0xffff, v2  }
0xa0: {  	[tilespmem:v14+s14+$0x0] =	vst.idx.add.f32.msk $0xffff, v2  }
0xa1: {  	[tilespmem:v16+s14+$0x0] =	vst.idx.add.f32.msk $0xffff, v2  }
0xa2: {  	[tilespmem:v12+s14+$0x0] =	vst.idx.add.f32.msk $0xffff, v2  }
.Ltmp4:
0xa3: {  	[tilespmem:v18+s14+$0x0] =	vst.idx.add.f32.msk $0xffff, v2;
	(pc) =	sbr.rel @p3 .LBB2_8-.Ltmp4, $4  }
0xa4: {  	[tilespmem:v6+s14+$0x0] =	vst.idx.add.f32.msk $0xffff, v2  }
0xa5: {  	[tilespmem:v15+s14+$0x0] =	vst.idx.add.f32.msk $0xffff, v2  }
0xa6: {  	[tilespmem:v5+s14+$0x0] =	vst.idx.add.f32.msk $0xffff, v2  }
0xa7: {  	[tilespmem:v17+s14+$0x0] =	vst.idx.add.f32.msk $0xffff, v2  }
0xa8: {  	p3 =	sle.s32 s21, s28  }
0xa9: {  	s1 =	sadd.s32 @!p3 s29, s22  }
0xaa: {  	p4 =	slt.s32 @!p3 s1, $0x40000  }
0xab: {  	p4 =	por !p4, p3  }
0xac: {  	s1 =	simm.s32 @p4 $0x40000  }
0xad: {  	s1 =	sshll.u32 @!p3 s1, $0x7  }
0xae: {  	s30 =	ssub.s32 s25, s30;
	s8 =	simm.s32 @!p3 $0x10;
	s1 =	sor.u32 @!p3 s3, s1  }
0xaf: {  	s12 =	simm.s32 @!p3 $0x80;
	p4 =	sgt.s32 s30, $0x5FF;
	s1 =	sshrl.u32 @!p3 s1, $0x3  }
.Ltmp5:
0xb0: {  	[tilespmem:v3+s14+$0x0] =	vst.idx.add.f32.msk $0xffff, v2;
	s16 =	simm.s32 @!p3 $0x0;
	s1 =	sadd.s32 @!p3 s4, s1;
	(pc) =	sbr.rel @p4 .LBB2_12-.Ltmp5, $4  }
0xb1: {  	[tilespmem:s16], [sflag:$0x1] =	stream.strided.gather @!p3 [hbm4b:s1+s8], $0x6000, s12, s8, $0x38;
	[tilespmem:$0x1C020] =	vst v63  }
0xb2: {  	_ =	swait.ge [sflag:s15], $0x6000  }
0xb3: {  	[sflag:s15] =	ssyncset.done $0x0  }
0xb4: {  	[sflag:s15] =	ssyncadd.s32 $0xFFFFA000  }
0xb5: {  	s0 =	sadd.s32 $0x1, s0  }
0xb6: {  	p4 =	slt.u32 s0, $0x5FF  }
.Ltmp6:
0xb7: {  	_ = 	snop;
	(pc) =	sbr.rel @!p4 .LBB2_12-.Ltmp6, $2  }
0xb8: {  	_ =	sdelay $0x2  }
0xb9: {  	[tilespmem:s31+$0x0] =	vst v1  }
.LBB2_11:
0xba: {  	s0 =	sadd.s32 $0x1, s0  }
0xbb: {  	p4 =	slt.u32 s0, $0x5FF  }
.Ltmp7:
0xbc: {  	_ = 	snop;
	(pc) =	sbr.rel @p4 .LBB2_11-.Ltmp7, $3  }
0xbd: {  	_ =	sdelay $0x1  }
0xbe: {  	s31 =	sadd.s32 $0x10, s31  }
0xbf: {  	[tilespmem:s31+$0x0] =	vst v1  }
.LBB2_12:
0xc0: {  	s0 =	simm.s32 $0x0  }
0xc1: {  	v3 =	vld [tilespmem:s0+$0x60F0]  }
0xc2: {  	v4 =	vld [tilespmem:s0+$0x6050]  }
0xc3: {  	v5 =	vld [tilespmem:s0+$0x60D0]  }
0xc4: {  	v6 =	vld [tilespmem:s0+$0x60B0]  }
0xc5: {  	v7 =	vld [tilespmem:s0+$0x6030]  }
0xc6: {  	v8 =	vld [tilespmem:s0+$0x6040]  }
0xc7: {  	v9 =	vld [tilespmem:s0+$0x6010]  }
0xc8: {  	v10 =	vld [tilespmem:s0+$0x6020]  }
0xc9: {  	v11 =	vld [tilespmem:s0+$0x6000]  }
0xca: {  	v12 =	vld [tilespmem:s0+$0x6090]  }
0xcb: {  	v13 =	vld [tilespmem:s0+$0x6060]  }
0xcc: {  	v14 =	vld [tilespmem:s0+$0x6070]  }
0xcd: {  	v15 =	vld [tilespmem:s0+$0x60C0]  }
0xce: {  	v16 =	vld [tilespmem:s0+$0x6080]  }
0xcf: {  	v17 =	vld [tilespmem:s0+$0x60E0]  }
0xd0: {  	v18 =	vld [tilespmem:s0+$0x60A0]  }
0xd1: {  	[tilespmem:v11+s14+$0x0] =	vst.idx.add.f32.msk $0xffff, v2  }
0xd2: {  	[tilespmem:v9+s14+$0x0] =	vst.idx.add.f32.msk $0xffff, v2  }
0xd3: {  	[tilespmem:v10+s14+$0x0] =	vst.idx.add.f32.msk $0xffff, v2  }
0xd4: {  	[tilespmem:v7+s14+$0x0] =	vst.idx.add.f32.msk $0xffff, v2  }
0xd5: {  	[tilespmem:v8+s14+$0x0] =	vst.idx.add.f32.msk $0xffff, v2  }
0xd6: {  	[tilespmem:v4+s14+$0x0] =	vst.idx.add.f32.msk $0xffff, v2  }
0xd7: {  	[tilespmem:v13+s14+$0x0] =	vst.idx.add.f32.msk $0xffff, v2  }
0xd8: {  	[tilespmem:v14+s14+$0x0] =	vst.idx.add.f32.msk $0xffff, v2  }
0xd9: {  	[tilespmem:v16+s14+$0x0] =	vst.idx.add.f32.msk $0xffff, v2  }
0xda: {  	[tilespmem:v12+s14+$0x0] =	vst.idx.add.f32.msk $0xffff, v2  }
0xdb: {  	[tilespmem:v18+s14+$0x0] =	vst.idx.add.f32.msk $0xffff, v2  }
0xdc: {  	[tilespmem:v6+s14+$0x0] =	vst.idx.add.f32.msk $0xffff, v2  }
0xdd: {  	[tilespmem:v15+s14+$0x0] =	vst.idx.add.f32.msk $0xffff, v2  }
0xde: {  	[tilespmem:v5+s14+$0x0] =	vst.idx.add.f32.msk $0xffff, v2  }
0xdf: {  	s0 =	simm.s32 $0x400;
	[tilespmem:v17+s14+$0x0] =	vst.idx.add.f32.msk $0xffff, v2  }
.LBB2_13:
0xe0: {  	s1 =	sshra.s32 s0, $0x2;
	p4 =	sne.s32 s0, $0x17C00;
	s0 =	sadd.s32 $0x400, s0;
	[tilespmem:v3+s14+$0x0] =	vst.idx.add.f32.msk $0xffff, v2  }
0xe1: {  	v3 =	vld [tilespmem:s1+$0x60F0]  }
0xe2: {  	v4 =	vld [tilespmem:s1+$0x6050]  }
0xe3: {  	v5 =	vld [tilespmem:s1+$0x60D0]  }
0xe4: {  	v6 =	vld [tilespmem:s1+$0x60B0]  }
0xe5: {  	v7 =	vld [tilespmem:s1+$0x6030]  }
0xe6: {  	v8 =	vld [tilespmem:s1+$0x6040]  }
0xe7: {  	v9 =	vld [tilespmem:s1+$0x6010]  }
0xe8: {  	v10 =	vld [tilespmem:s1+$0x6020]  }
0xe9: {  	v11 =	vld [tilespmem:s1+$0x6000]  }
0xea: {  	v12 =	vld [tilespmem:s1+$0x6090]  }
0xeb: {  	v13 =	vld [tilespmem:s1+$0x6060]  }
0xec: {  	v14 =	vld [tilespmem:s1+$0x6070]  }
0xed: {  	v15 =	vld [tilespmem:s1+$0x60C0]  }
0xee: {  	v16 =	vld [tilespmem:s1+$0x6080]  }
0xef: {  	v17 =	vld [tilespmem:s1+$0x60E0]  }
0xf0: {  	v18 =	vld [tilespmem:s1+$0x60A0]  }
0xf1: {  	[tilespmem:v11+s14+$0x0] =	vst.idx.add.f32.msk $0xffff, v2  }
0xf2: {  	[tilespmem:v9+s14+$0x0] =	vst.idx.add.f32.msk $0xffff, v2  }
0xf3: {  	[tilespmem:v10+s14+$0x0] =	vst.idx.add.f32.msk $0xffff, v2  }
0xf4: {  	[tilespmem:v7+s14+$0x0] =	vst.idx.add.f32.msk $0xffff, v2  }
0xf5: {  	[tilespmem:v8+s14+$0x0] =	vst.idx.add.f32.msk $0xffff, v2  }
0xf6: {  	[tilespmem:v4+s14+$0x0] =	vst.idx.add.f32.msk $0xffff, v2  }
0xf7: {  	[tilespmem:v13+s14+$0x0] =	vst.idx.add.f32.msk $0xffff, v2  }
0xf8: {  	[tilespmem:v14+s14+$0x0] =	vst.idx.add.f32.msk $0xffff, v2  }
0xf9: {  	[tilespmem:v16+s14+$0x0] =	vst.idx.add.f32.msk $0xffff, v2  }
0xfa: {  	[tilespmem:v12+s14+$0x0] =	vst.idx.add.f32.msk $0xffff, v2  }
.Ltmp8:
0xfb: {  	[tilespmem:v18+s14+$0x0] =	vst.idx.add.f32.msk $0xffff, v2;
	(pc) =	sbr.rel @p4 .LBB2_13-.Ltmp8, $4  }
0xfc: {  	[tilespmem:v6+s14+$0x0] =	vst.idx.add.f32.msk $0xffff, v2  }
0xfd: {  	[tilespmem:v15+s14+$0x0] =	vst.idx.add.f32.msk $0xffff, v2  }
0xfe: {  	[tilespmem:v5+s14+$0x0] =	vst.idx.add.f32.msk $0xffff, v2  }
0xff: {  	[tilespmem:v17+s14+$0x0] =	vst.idx.add.f32.msk $0xffff, v2  }
0x100: {  	s0 =	sadd.s32 @!p3 s29, s23  }
0x101: {  	p4 =	slt.s32 @!p3 s0, $0x40000  }
0x102: {  	p4 =	por !p4, p3  }
0x103: {  	s0 =	simm.s32 @p4 $0x40000  }
0x104: {  	s0 =	sshll.u32 @!p3 s0, $0x7  }
0x105: {  	s0 =	sor.u32 @!p3 s3, s0  }
0x106: {  	s1 =	simm.s32 @!p3 $0x10;
	s0 =	sshrl.u32 @!p3 s0, $0x3  }
0x107: {  	[tilespmem:v3+s14+$0x0] =	vst.idx.add.f32.msk $0xffff, v2;
	s8 =	simm.s32 @!p3 $0x80;
	s12 =	simm.s32 @!p3 $0x6000;
	s0 =	sadd.s32 @!p3 s4, s0  }
0x108: {  	[tilespmem:s12], [sflag:$0x2] =	stream.strided.gather @!p3 [hbm4b:s0+s1], $0x6000, s8, s1, $0x38;
	[tilespmem:$0x1C020] =	vst v63  }
0x109: {  	p3 =	sne.s32 s28, s24  }
.Ltmp9:
0x10a: {  	_ = 	snop;
	(pc) =	sbr.rel @p3 .LBB2_4-.Ltmp9, $2  }
0x10b: {  	_ =	sdelay $0x2  }
0x10c: {  	s20 =	sadd.s32 $0xFFFFF400, s20;
	s26 =	sadd.s32 $0xFFFFF400, s26;
	v3 =	vimm.f32 $0.0e+00  }
0x10d: {  	s0 =	simm.s32 $0x0  }
0x10e: {  	v5 =	vld [tilespmem:s0+$0xC000]  }
0x10f: {  	s1 =	simm.s32 $0x40;
	v4 =	vimm.f32 $0.0e+00;
	s18 =	simm.s32 $0x0  }
.LBB2_16:
0x110: {  	p3 =	sne.s32 s1, $0x1FC0  }
.Ltmp10:
0x111: {  	_ = 	snop;
	(pc) =	sbr.rel @p3 .LBB2_16-.Ltmp10, $4  }
0x112: {  	_ = 	snop  }
0x113: {  	s8 =	sshra.s32 s1, $0x2;
	s1 =	sadd.s32 $0x40, s1;
	v4 =	vadd.f32 v5, v4  }
0x114: {  	v5 =	vld [tilespmem:s8+$0xC000]  }
0x115: {  	[tilespmem:s18+$0x14010] =	vst v4;
	s18 =	smov.u32 s8  }
0x116: {  	_ =	sdelay $0x2  }
0x117: {  	v4 =	vadd.f32 v5, v4;
	_ =	sdelay $0x1  }
0x118: {  	[tilespmem:s18+$0x14010] =	vst v4  }
0x119: {  	v4 =	vld [tilespmem:s0+$0xC800]  }
0x11a: {  	s1 =	simm.s32 $0x40  }
.LBB2_18:
0x11b: {  	p3 =	sne.s32 s1, $0x1FC0  }
.Ltmp11:
0x11c: {  	_ = 	snop;
	(pc) =	sbr.rel @p3 .LBB2_18-.Ltmp11, $4  }
0x11d: {  	_ = 	snop  }
0x11e: {  	s8 =	sshra.s32 s1, $0x2;
	s1 =	sadd.s32 $0x40, s1;
	v3 =	vadd.f32 v4, v3  }
0x11f: {  	v4 =	vld [tilespmem:s8+$0xC800]  }
0x120: {  	[tilespmem:s0+$0x14810] =	vst v3;
	s0 =	smov.u32 s8  }
0x121: {  	_ =	sdelay $0x2  }
0x122: {  	v3 =	vadd.f32 v4, v3;
	_ =	sdelay $0x1  }
0x123: {  	[tilespmem:s0+$0x14810] =	vst v3;
	s0 =	simm.s32 $0x0  }
0x124: {  	v5 =	vld [tilespmem:s0+$0xD000]  }
0x125: {  	s1 =	simm.s32 $0x40;
	s18 =	simm.s32 $0x0;
	v4 =	vimm.f32 $0.0e+00;
	v3 =	vimm.f32 $0.0e+00  }
.LBB2_20:
0x126: {  	p3 =	sne.s32 s1, $0x1FC0  }
.Ltmp12:
0x127: {  	_ = 	snop;
	(pc) =	sbr.rel @p3 .LBB2_20-.Ltmp12, $4  }
0x128: {  	_ = 	snop  }
0x129: {  	s8 =	sshra.s32 s1, $0x2;
	s1 =	sadd.s32 $0x40, s1;
	v4 =	vadd.f32 v5, v4  }
0x12a: {  	v5 =	vld [tilespmem:s8+$0xD000]  }
0x12b: {  	[tilespmem:s18+$0x15010] =	vst v4;
	s18 =	smov.u32 s8  }
0x12c: {  	_ =	sdelay $0x2  }
0x12d: {  	v4 =	vadd.f32 v5, v4;
	_ =	sdelay $0x1  }
0x12e: {  	[tilespmem:s18+$0x15010] =	vst v4  }
0x12f: {  	v4 =	vld [tilespmem:s0+$0xD800]  }
0x130: {  	s1 =	simm.s32 $0x40  }
.LBB2_22:
0x131: {  	p3 =	sne.s32 s1, $0x1FC0  }
.Ltmp13:
0x132: {  	_ = 	snop;
	(pc) =	sbr.rel @p3 .LBB2_22-.Ltmp13, $4  }
0x133: {  	_ = 	snop  }
0x134: {  	s8 =	sshra.s32 s1, $0x2;
	s1 =	sadd.s32 $0x40, s1;
	v3 =	vadd.f32 v4, v3  }
0x135: {  	v4 =	vld [tilespmem:s8+$0xD800]  }
0x136: {  	[tilespmem:s0+$0x15810] =	vst v3;
	s0 =	smov.u32 s8  }
0x137: {  	_ =	sdelay $0x2  }
0x138: {  	v3 =	vadd.f32 v4, v3;
	_ =	sdelay $0x1  }
0x139: {  	[tilespmem:s0+$0x15810] =	vst v3;
	s0 =	simm.s32 $0x0  }
0x13a: {  	v5 =	vld [tilespmem:s0+$0xE000]  }
0x13b: {  	s1 =	simm.s32 $0x40;
	s18 =	simm.s32 $0x0;
	v4 =	vimm.f32 $0.0e+00;
	v3 =	vimm.f32 $0.0e+00  }
.LBB2_24:
0x13c: {  	p3 =	sne.s32 s1, $0x1FC0  }
.Ltmp14:
0x13d: {  	_ = 	snop;
	(pc) =	sbr.rel @p3 .LBB2_24-.Ltmp14, $4  }
0x13e: {  	_ = 	snop  }
0x13f: {  	s8 =	sshra.s32 s1, $0x2;
	s1 =	sadd.s32 $0x40, s1;
	v4 =	vadd.f32 v5, v4  }
0x140: {  	v5 =	vld [tilespmem:s8+$0xE000]  }
0x141: {  	[tilespmem:s18+$0x16010] =	vst v4;
	s18 =	smov.u32 s8  }
0x142: {  	_ =	sdelay $0x2  }
0x143: {  	v4 =	vadd.f32 v5, v4;
	_ =	sdelay $0x1  }
0x144: {  	[tilespmem:s18+$0x16010] =	vst v4  }
0x145: {  	v4 =	vld [tilespmem:s0+$0xE800]  }
0x146: {  	s1 =	simm.s32 $0x40  }
.LBB2_26:
0x147: {  	p3 =	sne.s32 s1, $0x1FC0  }
.Ltmp15:
0x148: {  	_ = 	snop;
	(pc) =	sbr.rel @p3 .LBB2_26-.Ltmp15, $4  }
0x149: {  	_ = 	snop  }
0x14a: {  	s8 =	sshra.s32 s1, $0x2;
	s1 =	sadd.s32 $0x40, s1;
	v3 =	vadd.f32 v4, v3  }
0x14b: {  	v4 =	vld [tilespmem:s8+$0xE800]  }
0x14c: {  	[tilespmem:s0+$0x16810] =	vst v3;
	s0 =	smov.u32 s8  }
0x14d: {  	_ =	sdelay $0x2  }
0x14e: {  	v3 =	vadd.f32 v4, v3;
	_ =	sdelay $0x1  }
0x14f: {  	[tilespmem:s0+$0x16810] =	vst v3;
	s0 =	simm.s32 $0x0  }
0x150: {  	v5 =	vld [tilespmem:s0+$0xF000]  }
0x151: {  	s1 =	simm.s32 $0x40;
	s18 =	simm.s32 $0x0;
	v4 =	vimm.f32 $0.0e+00;
	v3 =	vimm.f32 $0.0e+00  }
.LBB2_28:
0x152: {  	p3 =	sne.s32 s1, $0x1FC0  }
.Ltmp16:
0x153: {  	_ = 	snop;
	(pc) =	sbr.rel @p3 .LBB2_28-.Ltmp16, $4  }
0x154: {  	_ = 	snop  }
0x155: {  	s8 =	sshra.s32 s1, $0x2;
	s1 =	sadd.s32 $0x40, s1;
	v4 =	vadd.f32 v5, v4  }
0x156: {  	v5 =	vld [tilespmem:s8+$0xF000]  }
0x157: {  	[tilespmem:s18+$0x17010] =	vst v4;
	s18 =	smov.u32 s8  }
0x158: {  	_ =	sdelay $0x2  }
0x159: {  	v4 =	vadd.f32 v5, v4;
	_ =	sdelay $0x1  }
0x15a: {  	[tilespmem:s18+$0x17010] =	vst v4  }
0x15b: {  	v4 =	vld [tilespmem:s0+$0xF800]  }
0x15c: {  	s1 =	simm.s32 $0x40  }
.LBB2_30:
0x15d: {  	p3 =	sne.s32 s1, $0x1FC0  }
.Ltmp17:
0x15e: {  	_ = 	snop;
	(pc) =	sbr.rel @p3 .LBB2_30-.Ltmp17, $4  }
0x15f: {  	_ = 	snop  }
0x160: {  	s8 =	sshra.s32 s1, $0x2;
	s1 =	sadd.s32 $0x40, s1;
	v3 =	vadd.f32 v4, v3  }
0x161: {  	v4 =	vld [tilespmem:s8+$0xF800]  }
0x162: {  	[tilespmem:s0+$0x17810] =	vst v3;
	s0 =	smov.u32 s8  }
0x163: {  	_ =	sdelay $0x2  }
0x164: {  	v3 =	vadd.f32 v4, v3;
	_ =	sdelay $0x1  }
0x165: {  	[tilespmem:s0+$0x17810] =	vst v3;
	s0 =	simm.s32 $0x0  }
0x166: {  	v5 =	vld [tilespmem:s0+$0x10000]  }
0x167: {  	s1 =	simm.s32 $0x40;
	s18 =	simm.s32 $0x0;
	v4 =	vimm.f32 $0.0e+00;
	v3 =	vimm.f32 $0.0e+00  }
.LBB2_32:
0x168: {  	p3 =	sne.s32 s1, $0x1FC0  }
.Ltmp18:
0x169: {  	_ = 	snop;
	(pc) =	sbr.rel @p3 .LBB2_32-.Ltmp18, $4  }
0x16a: {  	_ = 	snop  }
0x16b: {  	s8 =	sshra.s32 s1, $0x2;
	s1 =	sadd.s32 $0x40, s1;
	v4 =	vadd.f32 v5, v4  }
0x16c: {  	v5 =	vld [tilespmem:s8+$0x10000]  }
0x16d: {  	[tilespmem:s18+$0x18010] =	vst v4;
	s18 =	smov.u32 s8  }
0x16e: {  	_ =	sdelay $0x2  }
0x16f: {  	v4 =	vadd.f32 v5, v4;
	_ =	sdelay $0x1  }
0x170: {  	[tilespmem:s18+$0x18010] =	vst v4  }
0x171: {  	v4 =	vld [tilespmem:s0+$0x10800]  }
0x172: {  	s1 =	simm.s32 $0x40  }
.LBB2_34:
0x173: {  	p3 =	sne.s32 s1, $0x1FC0  }
.Ltmp19:
0x174: {  	_ = 	snop;
	(pc) =	sbr.rel @p3 .LBB2_34-.Ltmp19, $4  }
0x175: {  	_ = 	snop  }
0x176: {  	s8 =	sshra.s32 s1, $0x2;
	s1 =	sadd.s32 $0x40, s1;
	v3 =	vadd.f32 v4, v3  }
0x177: {  	v4 =	vld [tilespmem:s8+$0x10800]  }
0x178: {  	[tilespmem:s0+$0x18810] =	vst v3;
	s0 =	smov.u32 s8  }
0x179: {  	_ =	sdelay $0x2  }
0x17a: {  	v3 =	vadd.f32 v4, v3;
	_ =	sdelay $0x1  }
0x17b: {  	[tilespmem:s0+$0x18810] =	vst v3;
	s0 =	simm.s32 $0x0  }
0x17c: {  	v5 =	vld [tilespmem:s0+$0x11000]  }
0x17d: {  	s1 =	simm.s32 $0x40;
	s18 =	simm.s32 $0x0;
	v4 =	vimm.f32 $0.0e+00;
	v3 =	vimm.f32 $0.0e+00  }
.LBB2_36:
0x17e: {  	p3 =	sne.s32 s1, $0x1FC0  }
.Ltmp20:
0x17f: {  	_ = 	snop;
	(pc) =	sbr.rel @p3 .LBB2_36-.Ltmp20, $4  }
0x180: {  	_ = 	snop  }
0x181: {  	s8 =	sshra.s32 s1, $0x2;
	s1 =	sadd.s32 $0x40, s1;
	v4 =	vadd.f32 v5, v4  }
0x182: {  	v5 =	vld [tilespmem:s8+$0x11000]  }
0x183: {  	[tilespmem:s18+$0x19010] =	vst v4;
	s18 =	smov.u32 s8  }
0x184: {  	_ =	sdelay $0x2  }
0x185: {  	v4 =	vadd.f32 v5, v4;
	_ =	sdelay $0x1  }
0x186: {  	[tilespmem:s18+$0x19010] =	vst v4  }
0x187: {  	v4 =	vld [tilespmem:s0+$0x11800]  }
0x188: {  	s1 =	simm.s32 $0x40  }
.LBB2_38:
0x189: {  	p3 =	sne.s32 s1, $0x1FC0  }
.Ltmp21:
0x18a: {  	_ = 	snop;
	(pc) =	sbr.rel @p3 .LBB2_38-.Ltmp21, $4  }
0x18b: {  	_ = 	snop  }
0x18c: {  	s8 =	sshra.s32 s1, $0x2;
	s1 =	sadd.s32 $0x40, s1;
	v3 =	vadd.f32 v4, v3  }
0x18d: {  	v4 =	vld [tilespmem:s8+$0x11800]  }
0x18e: {  	[tilespmem:s0+$0x19810] =	vst v3;
	s0 =	smov.u32 s8  }
0x18f: {  	_ =	sdelay $0x2  }
0x190: {  	v3 =	vadd.f32 v4, v3;
	_ =	sdelay $0x1  }
0x191: {  	[tilespmem:s0+$0x19810] =	vst v3;
	s0 =	simm.s32 $0x0  }
0x192: {  	v5 =	vld [tilespmem:s0+$0x12000]  }
0x193: {  	s1 =	simm.s32 $0x40;
	s18 =	simm.s32 $0x0;
	v4 =	vimm.f32 $0.0e+00;
	v3 =	vimm.f32 $0.0e+00  }
.LBB2_40:
0x194: {  	p3 =	sne.s32 s1, $0x1FC0  }
.Ltmp22:
0x195: {  	_ = 	snop;
	(pc) =	sbr.rel @p3 .LBB2_40-.Ltmp22, $4  }
0x196: {  	_ = 	snop  }
0x197: {  	s8 =	sshra.s32 s1, $0x2;
	s1 =	sadd.s32 $0x40, s1;
	v4 =	vadd.f32 v5, v4  }
0x198: {  	v5 =	vld [tilespmem:s8+$0x12000]  }
0x199: {  	[tilespmem:s18+$0x1A010] =	vst v4;
	s18 =	smov.u32 s8  }
0x19a: {  	_ =	sdelay $0x2  }
0x19b: {  	v4 =	vadd.f32 v5, v4;
	_ =	sdelay $0x1  }
0x19c: {  	[tilespmem:s18+$0x1A010] =	vst v4  }
0x19d: {  	v4 =	vld [tilespmem:s0+$0x12800]  }
0x19e: {  	s1 =	simm.s32 $0x40  }
.LBB2_42:
0x19f: {  	p3 =	sne.s32 s1, $0x1FC0  }
.Ltmp23:
0x1a0: {  	_ = 	snop;
	(pc) =	sbr.rel @p3 .LBB2_42-.Ltmp23, $4  }
0x1a1: {  	_ = 	snop  }
0x1a2: {  	s8 =	sshra.s32 s1, $0x2;
	s1 =	sadd.s32 $0x40, s1;
	v3 =	vadd.f32 v4, v3  }
0x1a3: {  	v4 =	vld [tilespmem:s8+$0x12800]  }
0x1a4: {  	[tilespmem:s0+$0x1A810] =	vst v3;
	s0 =	smov.u32 s8  }
0x1a5: {  	_ =	sdelay $0x2  }
0x1a6: {  	v3 =	vadd.f32 v4, v3;
	_ =	sdelay $0x1  }
0x1a7: {  	[tilespmem:s0+$0x1A810] =	vst v3;
	s0 =	simm.s32 $0x0  }
0x1a8: {  	v5 =	vld [tilespmem:s0+$0x13000]  }
0x1a9: {  	s1 =	simm.s32 $0x40;
	s18 =	simm.s32 $0x0;
	v4 =	vimm.f32 $0.0e+00;
	v3 =	vimm.f32 $0.0e+00  }
.LBB2_44:
0x1aa: {  	p3 =	sne.s32 s1, $0x1FC0  }
.Ltmp24:
0x1ab: {  	_ = 	snop;
	(pc) =	sbr.rel @p3 .LBB2_44-.Ltmp24, $4  }
0x1ac: {  	_ = 	snop  }
0x1ad: {  	s8 =	sshra.s32 s1, $0x2;
	s1 =	sadd.s32 $0x40, s1;
	v4 =	vadd.f32 v5, v4  }
0x1ae: {  	v5 =	vld [tilespmem:s8+$0x13000]  }
0x1af: {  	[tilespmem:s18+$0x1B010] =	vst v4;
	s18 =	smov.u32 s8  }
0x1b0: {  	_ =	sdelay $0x2  }
0x1b1: {  	v4 =	vadd.f32 v5, v4;
	_ =	sdelay $0x1  }
0x1b2: {  	[tilespmem:s18+$0x1B010] =	vst v4  }
0x1b3: {  	v4 =	vld [tilespmem:s0+$0x13800]  }
0x1b4: {  	s1 =	simm.s32 $0x40  }
.LBB2_46:
0x1b5: {  	p3 =	sne.s32 s1, $0x1FC0  }
.Ltmp25:
0x1b6: {  	_ = 	snop;
	(pc) =	sbr.rel @p3 .LBB2_46-.Ltmp25, $4  }
0x1b7: {  	_ = 	snop  }
0x1b8: {  	s8 =	sshra.s32 s1, $0x2;
	s1 =	sadd.s32 $0x40, s1;
	v3 =	vadd.f32 v4, v3  }
0x1b9: {  	v4 =	vld [tilespmem:s8+$0x13800]  }
0x1ba: {  	[tilespmem:s0+$0x1B810] =	vst v3;
	s0 =	smov.u32 s8  }
0x1bb: {  	_ =	sdelay $0x2  }
0x1bc: {  	s17 =	sadd.s32 $0x1, s17;
	v3 =	vadd.f32 v4, v3  }
0x1bd: {  	p3 =	sne.s32 s17, s7  }
.Ltmp26:
0x1be: {  	s31 =	simm.s32 $0x14010;
	[tilespmem:s0+$0x1B810] =	vst v3;
	(pc) =	sbr.rel @p3 .LBB2_1-.Ltmp26, $4  }
0x1bf: {  	[hbm4b:s6+s10] =	stream.strided.scatter [tilespmem:s31], [sflag:$0x3], $0x8000, s11, s10, $0x38;
	[tilespmem:$0x1C020] =	vst v63  }
0x1c0: {  	_ =	swait.ge [sflag:s9], $0x8000  }
0x1c1: {  	[sflag:s9] =	ssyncset.done $0x0  }
0x1c2: {  	[sflag:s9] =	ssyncadd.s32 $0xFFFF8000  }
0x1c3: {  	_ =	sfence.sel $0x180000  }
0x1c4: {  	[bflag:$0x0] =	sbarrier.arrive $0xFFFF  }
0x1c5: {  	_ =	strace $0x90000047  }
0x1c6: {  	s0 =	stileid.u32;
	[bflag:$0x2] =	sbarrier.arrive $0xFFFF  }
0x1c7: {  	p0 =	sne.s32 s0, $0x0;
	s0 =	rddreg [dreg:$0x2]  }
0x1c8: {  	s0 =	sadd.s32 @!p0 $0x100000, s0  }
0x1c9: {  	[sflag:s0] =	ssyncadd.tile.s32 @!p0 $0x1;
	_ =	shalt  }
.Lfunc_end2:
_tile_overlayer_lowered:
.L_overlay_start_2:
0x1ca: {  	(tag) =	ssettag $0x2  }
0x1cb: {  	s0 =	rddreg [dreg:$0x0];
	s2 =	stileid.u32  }
0x1cc: {  	s1 =	rddreg [dreg:$0x1];
	p0 =	sne.s32 s2, $0x0  }
0x1cd: {  	s3 =	rddreg [dreg:$0x2];
	[bflag:$0x3] =	sbarrier.arrive $0xFFFF;
	s2 =	simm.s32 @!p0 $0x1C03  }
0x1ce: {  	[timem:s3], [sflag:s2] =	dma.local @!p0 [hbm:s0], s1  }
0x1cf: {  	s0 =	simm.s32 @!p0 $0x3  }
0x1d0: {  	_ =	swait.ge @!p0 [sflag:s0], s1  }
0x1d1: {  	s1 =	ssub.s32 @!p0 $0x0, s1;
	[sflag:s0] =	ssyncset.done @!p0 $0x0  }
0x1d2: {  	[sflag:s0] =	ssyncadd.s32 @!p0 s1  }
0x1d3: {  	[bflag:$0x3] =	sbarrier.arrive $0xFFFF  }
0x1d4: {  	_ =	shalt  }

</sc_bundles>
